<compile_context>
chip_gen: v7x
topology: tpu7x:2x2x1
jax: 0.10.2.dev20260603
libtpu: 0.0.44.dev20260713+nightly
codegen_flags: <defaults>
</compile_context>

<pallas_src>
import functools
import math

import jax
import jax.numpy as jnp
from jax import lax
from jax.experimental import pallas as pl
from jax.experimental.pallas import tpu as pltpu
from jax.experimental.pallas import tpu_sc as plsc

N = 8192
D = 1024
K = 64
KMEANS_ITERS = 3
TOLERANCE = 1e-4
CAP = math.ceil(N / K)

BM = 1024
NB = N // BM


def _dist_body(data_ref, cbt_ref, asq_ref, bsq_ref, out_ref):
    a = data_ref[...]
    ab = jnp.dot(
        a.astype(jnp.bfloat16),
        cbt_ref[...].astype(jnp.bfloat16),
        preferred_element_type=jnp.float32,
    )
    sq = asq_ref[...] + bsq_ref[0:1, :] - 2.0 * ab
    out_ref[...] = jnp.sqrt(jnp.maximum(sq, 0.0) + 1e-9)


_dist_call = pl.pallas_call(
    _dist_body,
    grid=(NB,),
    in_specs=[
        pl.BlockSpec((BM, D), lambda i: (i, 0)),
        pl.BlockSpec((D, K), lambda i: (0, 0)),
        pl.BlockSpec((BM, 1), lambda i: (i, 0)),
        pl.BlockSpec((8, K), lambda i: (0, 0)),
    ],
    out_specs=pl.BlockSpec((BM, K), lambda i: (i, 0)),
    out_shape=jax.ShapeDtypeStruct((N, K), jnp.float32),
)

CHUNK = 512
NCH = N // CHUNK
GROUPS = CHUNK // 16

def _greedy_body(dist_hbm, out_hbm, buf, lab):
    cid = lax.axis_index("c")
    sid = lax.axis_index("s")

    @pl.when(jnp.logical_and(cid == 0, sid == 0))
    def _():
        lanes = lax.iota(jnp.int32, 16)
        big_f = jnp.float32(3.0e38)
        big_i = jnp.int32(1 << 20)
        perms = [lanes ^ s for s in (8, 4, 2, 1)]

        def _allmin(v):
            for p in perms:
                v = jnp.minimum(v, v.at[p].get(mode="promise_in_bounds"))
            return v

        def chunk_body(ci, counts):
            pltpu.sync_copy(dist_hbm.at[pl.ds(ci * (CHUNK * K), CHUNK * K)], buf)

            def group_body(g, counts2):
                c0, c1, c2, c3 = counts2

                def row_body(r, rc):
                    c0, c1, c2, c3, lv = rc
                    base = (g * 16 + r) * K
                    d0 = buf[pl.ds(base, 16)]
                    d1 = buf[pl.ds(base + 16, 16)]
                    d2 = buf[pl.ds(base + 32, 16)]
                    d3 = buf[pl.ds(base + 48, 16)]
                    v0 = jnp.where(c0 < CAP, d0, big_f)
                    v1 = jnp.where(c1 < CAP, d1, big_f)
                    v2 = jnp.where(c2 < CAP, d2, big_f)
                    v3 = jnp.where(c3 < CAP, d3, big_f)
                    m = jnp.minimum(jnp.minimum(v0, v1), jnp.minimum(v2, v3))
                    mn = _allmin(m)
                    cand0 = jnp.where(v0 == mn, lanes, big_i)
                    cand1 = jnp.where(v1 == mn, lanes + 16, big_i)
                    cand2 = jnp.where(v2 == mn, lanes + 32, big_i)
                    cand3 = jnp.where(v3 == mn, lanes + 48, big_i)
                    cv = jnp.minimum(
                        jnp.minimum(cand0, cand1), jnp.minimum(cand2, cand3)
                    )
                    label = _allmin(cv)
                    c0 = c0 + jnp.where(lanes == label, 1, 0)
                    c1 = c1 + jnp.where((lanes + 16) == label, 1, 0)
                    c2 = c2 + jnp.where((lanes + 32) == label, 1, 0)
                    c3 = c3 + jnp.where((lanes + 48) == label, 1, 0)
                    lv = jnp.where(lanes == r, label, lv)
                    return (c0, c1, c2, c3, lv)

                lv0 = jnp.zeros((16,), jnp.int32)
                c0, c1, c2, c3, lv = lax.fori_loop(
                    0, 16, row_body, (c0, c1, c2, c3, lv0)
                )
                lab[pl.ds(ci * CHUNK + g * 16, 16)] = lv
                return (c0, c1, c2, c3)

            return lax.fori_loop(0, GROUPS, group_body, counts)

        z = jnp.zeros((16,), jnp.int32)
        lax.fori_loop(0, NCH, chunk_body, (z, z, z, z))
        pltpu.sync_copy(lab, out_hbm)


@functools.cache
def _greedy_call():
    mesh = plsc.VectorSubcoreMesh(core_axis_name="c", subcore_axis_name="s")
    return pl.kernel(
        _greedy_body,
        out_type=jax.ShapeDtypeStruct((N,), jnp.int32),
        mesh=mesh,
        scratch_types=[
            pltpu.VMEM((CHUNK * K,), jnp.float32),
            pltpu.VMEM((N,), jnp.int32),
        ],
    )

BU = 1024
NBU = N // BU


def _update_body(data_ref, lab_ref, oldcb_ref, cb_out, normsq_out, sums):
    i = pl.program_id(0)

    @pl.when(i == 0)
    def _():
        sums[...] = jnp.zeros_like(sums)

    def row(r, carry):
        lbl = lab_ref[0, 0, r]
        sums[pl.ds(lbl, 1), :] += data_ref[pl.ds(r, 1), :]
        return carry

    lax.fori_loop(0, BU, row, jnp.int32(0))

    @pl.when(i == NBU - 1)
    def _():
        new_cb = sums[...] / jnp.float32(CAP)
        cb_out[...] = new_cb
        dcb = new_cb - oldcb_ref[...]
        normsq_out[0] = jnp.sum(dcb * dcb)


_update_call = pl.pallas_call(
    _update_body,
    grid=(NBU,),
    in_specs=[
        pl.BlockSpec((BU, D), lambda i: (i, 0)),
        pl.BlockSpec((1, 1, BU), lambda i: (i, 0, 0), memory_space=pltpu.SMEM),
        pl.BlockSpec((K, D), lambda i: (0, 0)),
    ],
    out_specs=[
        pl.BlockSpec((K, D), lambda i: (0, 0)),
        pl.BlockSpec(memory_space=pltpu.SMEM),
    ],
    out_shape=[
        jax.ShapeDtypeStruct((K, D), jnp.float32),
        jax.ShapeDtypeStruct((1,), jnp.float32),
    ],
    scratch_shapes=[
        pltpu.VMEM((K, D), jnp.float32),
    ],
)


def kernel(data):
    n, d = data.shape
    perm = jax.random.permutation(jax.random.key(42), n)
    cb = data[perm[:K], :]
    done = jnp.zeros((), jnp.bool_)
    labels = None
    for _ in range(KMEANS_ITERS):
        cbt = cb.T
        asq = jnp.sum(data * data, axis=-1)[:, None]
        bsq = jnp.tile(jnp.sum(cb * cb, axis=-1)[None, :], (8, 1))
        dist = _dist_call(data, cbt, asq, bsq)
        labels = _greedy_call()(dist.reshape(-1))
        new_cb, normsq = _update_call(data, labels.reshape(NBU, 1, BU), cb)
        converged = jnp.sqrt(normsq[0]) < TOLERANCE
        cb = jnp.where(done, cb, new_cb)
        done = jnp.logical_or(done, converged)
    return cb, labels

# --- scband reference (transcript-rebuilt; emitter-appended) ---
"""Pipeline reference for scband-balanced-kmeans-36395552866385 (READ-ONLY COPY).

The authoritative reference and input builder live on the scoring server;
editing this copy changes nothing except your own understanding.
"""

import math
import jax
import jax.numpy as jnp
import numpy as np

NUM_CLUSTERS = 64
KMEANS_ITERS = 3
TOLERANCE = 1e-4
N_SAMPLES = 8192
DIM = 1024


def setup_inputs(seed: int = 0) -> dict:
    key = jax.random.key(seed)
    data = jax.random.normal(key, (N_SAMPLES, DIM), dtype=jnp.float32)
    return {"data": data}


def _cdist(a, b):
    # Euclidean distance matrix, matches torch.cdist(p=2).
    sq = (
        jnp.sum(a * a, axis=-1)[:, None]
        + jnp.sum(b * b, axis=-1)[None, :]
        - 2.0 * (a @ b.T)
    )
    return jnp.sqrt(jnp.maximum(sq, 0.0) + 1e-9)


def _assign_clusters(dist, num_clusters, max_per_cluster):
    # Sequential greedy balanced assignment, faithful to the torch loop.
    sorted_indices = jnp.argsort(dist, axis=-1)  # [N, K]

    def step(counts, srow):
        avail = counts[srow] < max_per_cluster  # availability in preference order
        any_avail = jnp.any(avail)
        first = jnp.argmax(avail)  # first available preferred cluster
        label = jnp.where(any_avail, srow[first], jnp.argmin(counts))
        counts = counts.at[label].add(1)
        return counts, label

    counts0 = jnp.zeros((num_clusters,), dtype=jnp.int32)
    _, labels = jax.lax.scan(step, counts0, sorted_indices)
    return labels


def _update_codebook(data, labels, old_codebook, num_clusters):
    sums = jax.ops.segment_sum(data, labels, num_segments=num_clusters)
    cnts = jax.ops.segment_sum(
        jnp.ones((data.shape[0],), dtype=data.dtype), labels, num_segments=num_clusters
    )
    means = sums / jnp.maximum(cnts, 1.0)[:, None]
    return jnp.where((cnts > 0)[:, None], means, old_codebook)


def reference(data):
    n, d = data.shape
    # init: random subset of the data (num_emb >= num_clusters branch)
    perm = jax.random.permutation(jax.random.key(42), n)
    codebook0 = data[perm[:NUM_CLUSTERS]]
    max_per_cluster = math.ceil(n / NUM_CLUSTERS)

    def body(carry, _):
        cb, done = carry
        dist = _cdist(data, cb)
        labels = _assign_clusters(dist, NUM_CLUSTERS, max_per_cluster)
        new_cb = _update_codebook(data, labels, cb, NUM_CLUSTERS)
        converged = jnp.linalg.norm(new_cb - cb) < TOLERANCE
        cb_next = jnp.where(done, cb, new_cb)  # freeze after convergence (early break)
        return (cb_next, jnp.logical_or(done, converged)), labels

    (codebook, _), labels_all = jax.lax.scan(
        body, (codebook0, jnp.array(False)), None, length=KMEANS_ITERS
    )
    return codebook, labels_all[-1]

if __name__ == "__main__":
    import jax
    _d = setup_inputs()
    print(jax.jit(kernel)(*tuple(_d.values())))

</pallas_src>

<mosaic_0001>
#map = affine_map<(d0, d1) -> (0)>
module attributes {stable_mosaic.version = 14 : i64} {
  func.func @_greedy_body(%arg0: i32, %arg1: i32, %arg2: memref<524288xf32, #tpu.memory_space<hbm>>, %arg3: memref<8192xi32, #tpu.memory_space<hbm>>, %arg4: memref<32768xf32, #tpu.memory_space<vmem>>, %arg5: memref<8192xi32, #tpu.memory_space<vmem>>) attributes {dimension_semantics = [#tpu.dimension_semantics<core_parallel>, #tpu.dimension_semantics<subcore_parallel>], iteration_bounds = array<i64: 2, 16>, scalar_prefetch = 0 : i64, scratch_operands = 2 : i64, tpu.core_type = #tpu.core_type<sc_vector_subcore>, window_params = [{transform_indices = #map}, {transform_indices = #map}]} {
    %eq3A = arith.constant 0 : i32
    %eq3A_0 = arith.cmpi eq, %arg0, %eq3A : i32
    %eq3A_1 = arith.constant 0 : i32
    %eq3A_2 = arith.cmpi eq, %arg1, %eq3A_1 : i32
    %and3A = arith.andi %eq3A_0, %eq3A_2 : i1
    %convert_element_type3A = arith.extui %and3A : i1 to i32
    %cond3A = arith.constant 0 : i32
    %cond3A_3 = arith.cmpi ne, %convert_element_type3A, %cond3A : i32
    scf.if %cond3A_3 {
      %iota3A = tpu.iota {dimensions = array<i32: 0>} : vector<16xi32>
      %xor3A = arith.constant 8 : i32
      %xor3A_4 = vector.broadcast %xor3A : i32 to vector<16xi32>
      %xor3A_5 = arith.xori %iota3A, %xor3A_4 : vector<16xi32>
      %xor3A_6 = arith.constant 4 : i32
      %xor3A_7 = vector.broadcast %xor3A_6 : i32 to vector<16xi32>
      %xor3A_8 = arith.xori %iota3A, %xor3A_7 : vector<16xi32>
      %xor3A_9 = arith.constant 2 : i32
      %xor3A_10 = vector.broadcast %xor3A_9 : i32 to vector<16xi32>
      %xor3A_11 = arith.xori %iota3A, %xor3A_10 : vector<16xi32>
      %xor3A_12 = arith.constant 1 : i32
      %xor3A_13 = vector.broadcast %xor3A_12 : i32 to vector<16xi32>
      %xor3A_14 = arith.xori %iota3A, %xor3A_13 : vector<16xi32>
      %broadcast_in_dim3A = arith.constant 0 : i32
      %broadcast_in_dim3A_15 = vector.broadcast %broadcast_in_dim3A : i32 to vector<16xi32>
      %scan3A = arith.constant 3.000000e+38 : f32
      %scan3A_16 = arith.constant 1048576 : i32
      %scan3A_17 = arith.constant 0 : i32
      %scan3A_18 = arith.constant 16 : i32
      %scan3A_19 = arith.addi %scan3A_17, %scan3A_18 : i32
      %scan3A_20 = arith.constant 1 : i32
      %scan3A_21:4 = scf.for %scan3A_23 = %scan3A_17 to %scan3A_19 step %scan3A_20 iter_args(%scan3A_24 = %broadcast_in_dim3A_15, %scan3A_25 = %broadcast_in_dim3A_15, %scan3A_26 = %broadcast_in_dim3A_15, %scan3A_27 = %broadcast_in_dim3A_15) -> (vector<16xi32>, vector<16xi32>, vector<16xi32>, vector<16xi32>)  : i32 {
        %mul3A = arith.constant 32768 : i32
        %mul3A_28 = arith.muli %scan3A_23, %mul3A : i32
        "tpu.region"() ({
          %run_scoped3A = tpu.sem_alloc : memref<!tpu.dma_semaphore, #tpu.memory_space<semaphore_mem>>
          %dma_start3A = tpu.memref_slice %arg2[%mul3A_28] : memref<524288xf32, #tpu.memory_space<hbm>> -> memref<32768xf32, #tpu.memory_space<hbm>>
          %dma_start3A_35 = tpu.memref_slice %arg2[%mul3A_28] : memref<524288xf32, #tpu.memory_space<hbm>> -> memref<32768xf32, #tpu.memory_space<hbm>>
          tpu.enqueue_dma source(%dma_start3A_35 : memref<32768xf32, #tpu.memory_space<hbm>>) target(%arg4 : memref<32768xf32, #tpu.memory_space<vmem>>) target_semaphore(%run_scoped3A : memref<!tpu.dma_semaphore, #tpu.memory_space<semaphore_mem>>)
          %dma_wait3A = tpu.memref_slice %arg2[%mul3A_28] : memref<524288xf32, #tpu.memory_space<hbm>> -> memref<32768xf32, #tpu.memory_space<hbm>>
          %dma_wait3A_36 = tpu.memref_slice %arg2[%mul3A_28] : memref<524288xf32, #tpu.memory_space<hbm>> -> memref<32768xf32, #tpu.memory_space<hbm>>
          tpu.wait_dma2 semaphore(%run_scoped3A : memref<!tpu.dma_semaphore, #tpu.memory_space<semaphore_mem>>) src(%dma_wait3A_36 : memref<32768xf32, #tpu.memory_space<hbm>>) dst(%arg4 : memref<32768xf32, #tpu.memory_space<vmem>>)
          tpu.yield
        }) : () -> ()
        %scan3A_29 = arith.constant 0 : i32
        %scan3A_30 = arith.constant 32 : i32
        %scan3A_31 = arith.addi %scan3A_29, %scan3A_30 : i32
        %scan3A_32 = arith.constant 1 : i32
        %scan3A_33:4 = scf.for %scan3A_35 = %scan3A_29 to %scan3A_31 step %scan3A_32 iter_args(%scan3A_36 = %scan3A_24, %scan3A_37 = %scan3A_25, %scan3A_38 = %scan3A_26, %scan3A_39 = %scan3A_27) -> (vector<16xi32>, vector<16xi32>, vector<16xi32>, vector<16xi32>)  : i32 {
          %broadcast_in_dim3A_40 = arith.constant 0 : i32
          %broadcast_in_dim3A_41 = vector.broadcast %broadcast_in_dim3A_40 : i32 to vector<16xi32>
          %scan3A_42 = arith.constant 0 : i32
          %scan3A_43 = arith.constant 16 : i32
          %scan3A_44 = arith.addi %scan3A_42, %scan3A_43 : i32
          %scan3A_45 = arith.constant 1 : i32
          %scan3A_46:5 = scf.for %scan3A_55 = %scan3A_42 to %scan3A_44 step %scan3A_45 iter_args(%scan3A_56 = %scan3A_36, %scan3A_57 = %scan3A_37, %scan3A_58 = %scan3A_38, %scan3A_59 = %scan3A_39, %scan3A_60 = %broadcast_in_dim3A_41) -> (vector<16xi32>, vector<16xi32>, vector<16xi32>, vector<16xi32>, vector<16xi32>)  : i32 {
            %mul3A_61 = arith.constant 16 : i32
            %mul3A_62 = arith.muli %scan3A_35, %mul3A_61 : i32
            %add3A_63 = arith.addi %mul3A_62, %scan3A_55 : i32
            %mul3A_64 = arith.constant 64 : i32
            %mul3A_65 = arith.muli %add3A_63, %mul3A_64 : i32
            %get3A = arith.index_cast %mul3A_65 : i32 to index
            %get3A_66 = tpu.vector_load %arg4[%get3A] {strides = array<i32>} : memref<32768xf32, #tpu.memory_space<vmem>>, vector<16xf32>,
            %get3A_67 = vector.shape_cast %get3A_66 : vector<16xf32> to vector<16xf32>
            %add3A_68 = arith.constant 16 : i32
            %add3A_69 = arith.addi %mul3A_65, %add3A_68 : i32
            %get3A_70 = arith.index_cast %add3A_69 : i32 to index
            %get3A_71 = tpu.vector_load %arg4[%get3A_70] {strides = array<i32>} : memref<32768xf32, #tpu.memory_space<vmem>>, vector<16xf32>,
            %get3A_72 = vector.shape_cast %get3A_71 : vector<16xf32> to vector<16xf32>
            %add3A_73 = arith.constant 32 : i32
            %add3A_74 = arith.addi %mul3A_65, %add3A_73 : i32
            %get3A_75 = arith.index_cast %add3A_74 : i32 to index
            %get3A_76 = tpu.vector_load %arg4[%get3A_75] {strides = array<i32>} : memref<32768xf32, #tpu.memory_space<vmem>>, vector<16xf32>,
            %get3A_77 = vector.shape_cast %get3A_76 : vector<16xf32> to vector<16xf32>
            %add3A_78 = arith.constant 48 : i32
            %add3A_79 = arith.addi %mul3A_65, %add3A_78 : i32
            %get3A_80 = arith.index_cast %add3A_79 : i32 to index
            %get3A_81 = tpu.vector_load %arg4[%get3A_80] {strides = array<i32>} : memref<32768xf32, #tpu.memory_space<vmem>>, vector<16xf32>,
            %get3A_82 = vector.shape_cast %get3A_81 : vector<16xf32> to vector<16xf32>
            %lt3A = arith.constant 128 : i32
            %lt3A_83 = vector.broadcast %lt3A : i32 to vector<16xi32>
            %lt3A_84 = arith.cmpi slt, %scan3A_56, %lt3A_83 : vector<16xi32>
            %broadcast_in_dim3A_85 = vector.broadcast %scan3A : f32 to vector<16xf32>
            %select_n3A = arith.select %lt3A_84, %get3A_67, %broadcast_in_dim3A_85 : vector<16xi1>, vector<16xf32>
            %lt3A_86 = arith.constant 128 : i32
            %lt3A_87 = vector.broadcast %lt3A_86 : i32 to vector<16xi32>
            %lt3A_88 = arith.cmpi slt, %scan3A_57, %lt3A_87 : vector<16xi32>
            %broadcast_in_dim3A_89 = vector.broadcast %scan3A : f32 to vector<16xf32>
            %select_n3A_90 = arith.select %lt3A_88, %get3A_72, %broadcast_in_dim3A_89 : vector<16xi1>, vector<16xf32>
            %lt3A_91 = arith.constant 128 : i32
            %lt3A_92 = vector.broadcast %lt3A_91 : i32 to vector<16xi32>
            %lt3A_93 = arith.cmpi slt, %scan3A_58, %lt3A_92 : vector<16xi32>
            %broadcast_in_dim3A_94 = vector.broadcast %scan3A : f32 to vector<16xf32>
            %select_n3A_95 = arith.select %lt3A_93, %get3A_77, %broadcast_in_dim3A_94 : vector<16xi1>, vector<16xf32>
            %lt3A_96 = arith.constant 128 : i32
            %lt3A_97 = vector.broadcast %lt3A_96 : i32 to vector<16xi32>
            %lt3A_98 = arith.cmpi slt, %scan3A_59, %lt3A_97 : vector<16xi32>
            %broadcast_in_dim3A_99 = vector.broadcast %scan3A : f32 to vector<16xf32>
            %select_n3A_100 = arith.select %lt3A_98, %get3A_82, %broadcast_in_dim3A_99 : vector<16xi1>, vector<16xf32>
            %min3A = arith.minimumf %select_n3A, %select_n3A_90 : vector<16xf32>
            %min3A_101 = arith.minimumf %select_n3A_95, %select_n3A_100 : vector<16xf32>
            %min3A_102 = arith.minimumf %min3A, %min3A_101 : vector<16xf32>
            %lt3A_103 = arith.constant 0 : i32
            %lt3A_104 = vector.broadcast %lt3A_103 : i32 to vector<16xi32>
            %lt3A_105 = arith.cmpi slt, %xor3A_5, %lt3A_104 : vector<16xi32>
            %add3A_106 = arith.constant 16 : i32
            %add3A_107 = vector.broadcast %add3A_106 : i32 to vector<16xi32>
            %add3A_108 = arith.addi %xor3A_5, %add3A_107 : vector<16xi32>
            %select_n3A_109 = arith.select %lt3A_105, %add3A_108, %xor3A_5 : vector<16xi1>, vector<16xi32>
            %broadcast_in_dim3A_110 = vector.shape_cast %select_n3A_109 : vector<16xi32> to vector<16x1xi32>
            %gather3A = vector.shape_cast %broadcast_in_dim3A_110 : vector<16x1xi32> to vector<16xi32>
            %gather3A_111 = tpu.dynamic_gather %min3A_102[%gather3A] in [0] : vector<16xf32>, vector<16xi32> -> vector<16xf32>
            %min3A_112 = arith.minimumf %min3A_102, %gather3A_111 : vector<16xf32>
            %lt3A_113 = arith.constant 0 : i32
            %lt3A_114 = vector.broadcast %lt3A_113 : i32 to vector<16xi32>
            %lt3A_115 = arith.cmpi slt, %xor3A_8, %lt3A_114 : vector<16xi32>
            %add3A_116 = arith.constant 16 : i32
            %add3A_117 = vector.broadcast %add3A_116 : i32 to vector<16xi32>
            %add3A_118 = arith.addi %xor3A_8, %add3A_117 : vector<16xi32>
            %select_n3A_119 = arith.select %lt3A_115, %add3A_118, %xor3A_8 : vector<16xi1>, vector<16xi32>
            %broadcast_in_dim3A_120 = vector.shape_cast %select_n3A_119 : vector<16xi32> to vector<16x1xi32>
            %gather3A_121 = vector.shape_cast %broadcast_in_dim3A_120 : vector<16x1xi32> to vector<16xi32>
            %gather3A_122 = tpu.dynamic_gather %min3A_112[%gather3A_121] in [0] : vector<16xf32>, vector<16xi32> -> vector<16xf32>
            %min3A_123 = arith.minimumf %min3A_112, %gather3A_122 : vector<16xf32>
            %lt3A_124 = arith.constant 0 : i32
            %lt3A_125 = vector.broadcast %lt3A_124 : i32 to vector<16xi32>
            %lt3A_126 = arith.cmpi slt, %xor3A_11, %lt3A_125 : vector<16xi32>
            %add3A_127 = arith.constant 16 : i32
            %add3A_128 = vector.broadcast %add3A_127 : i32 to vector<16xi32>
            %add3A_129 = arith.addi %xor3A_11, %add3A_128 : vector<16xi32>
            %select_n3A_130 = arith.select %lt3A_126, %add3A_129, %xor3A_11 : vector<16xi1>, vector<16xi32>
            %broadcast_in_dim3A_131 = vector.shape_cast %select_n3A_130 : vector<16xi32> to vector<16x1xi32>
            %gather3A_132 = vector.shape_cast %broadcast_in_dim3A_131 : vector<16x1xi32> to vector<16xi32>
            %gather3A_133 = tpu.dynamic_gather %min3A_123[%gather3A_132] in [0] : vector<16xf32>, vector<16xi32> -> vector<16xf32>
            %min3A_134 = arith.minimumf %min3A_123, %gather3A_133 : vector<16xf32>
            %lt3A_135 = arith.constant 0 : i32
            %lt3A_136 = vector.broadcast %lt3A_135 : i32 to vector<16xi32>
            %lt3A_137 = arith.cmpi slt, %xor3A_14, %lt3A_136 : vector<16xi32>
            %add3A_138 = arith.constant 16 : i32
            %add3A_139 = vector.broadcast %add3A_138 : i32 to vector<16xi32>
            %add3A_140 = arith.addi %xor3A_14, %add3A_139 : vector<16xi32>
            %select_n3A_141 = arith.select %lt3A_137, %add3A_140, %xor3A_14 : vector<16xi1>, vector<16xi32>
            %broadcast_in_dim3A_142 = vector.shape_cast %select_n3A_141 : vector<16xi32> to vector<16x1xi32>
            %gather3A_143 = vector.shape_cast %broadcast_in_dim3A_142 : vector<16x1xi32> to vector<16xi32>
            %gather3A_144 = tpu.dynamic_gather %min3A_134[%gather3A_143] in [0] : vector<16xf32>, vector<16xi32> -> vector<16xf32>
            %min3A_145 = arith.minimumf %min3A_134, %gather3A_144 : vector<16xf32>
            %eq3A_146 = arith.cmpf oeq, %select_n3A, %min3A_145 : vector<16xf32>
            %broadcast_in_dim3A_147 = vector.broadcast %scan3A_16 : i32 to vector<16xi32>
            %select_n3A_148 = arith.select %eq3A_146, %iota3A, %broadcast_in_dim3A_147 : vector<16xi1>, vector<16xi32>
            %eq3A_149 = arith.cmpf oeq, %select_n3A_90, %min3A_145 : vector<16xf32>
            %add3A_150 = arith.constant 16 : i32
            %add3A_151 = vector.broadcast %add3A_150 : i32 to vector<16xi32>
            %add3A_152 = arith.addi %iota3A, %add3A_151 : vector<16xi32>
            %broadcast_in_dim3A_153 = vector.broadcast %scan3A_16 : i32 to vector<16xi32>
            %select_n3A_154 = arith.select %eq3A_149, %add3A_152, %broadcast_in_dim3A_153 : vector<16xi1>, vector<16xi32>
            %eq3A_155 = arith.cmpf oeq, %select_n3A_95, %min3A_145 : vector<16xf32>
            %add3A_156 = arith.constant 32 : i32
            %add3A_157 = vector.broadcast %add3A_156 : i32 to vector<16xi32>
            %add3A_158 = arith.addi %iota3A, %add3A_157 : vector<16xi32>
            %broadcast_in_dim3A_159 = vector.broadcast %scan3A_16 : i32 to vector<16xi32>
            %select_n3A_160 = arith.select %eq3A_155, %add3A_158, %broadcast_in_dim3A_159 : vector<16xi1>, vector<16xi32>
            %eq3A_161 = arith.cmpf oeq, %select_n3A_100, %min3A_145 : vector<16xf32>
            %add3A_162 = arith.constant 48 : i32
            %add3A_163 = vector.broadcast %add3A_162 : i32 to vector<16xi32>
            %add3A_164 = arith.addi %iota3A, %add3A_163 : vector<16xi32>
            %broadcast_in_dim3A_165 = vector.broadcast %scan3A_16 : i32 to vector<16xi32>
            %select_n3A_166 = arith.select %eq3A_161, %add3A_164, %broadcast_in_dim3A_165 : vector<16xi1>, vector<16xi32>
            %min3A_167 = arith.minsi %select_n3A_148, %select_n3A_154 : vector<16xi32>
            %min3A_168 = arith.minsi %select_n3A_160, %select_n3A_166 : vector<16xi32>
            %min3A_169 = arith.minsi %min3A_167, %min3A_168 : vector<16xi32>
            %lt3A_170 = arith.constant 0 : i32
            %lt3A_171 = vector.broadcast %lt3A_170 : i32 to vector<16xi32>
            %lt3A_172 = arith.cmpi slt, %xor3A_5, %lt3A_171 : vector<16xi32>
            %add3A_173 = arith.constant 16 : i32
            %add3A_174 = vector.broadcast %add3A_173 : i32 to vector<16xi32>
            %add3A_175 = arith.addi %xor3A_5, %add3A_174 : vector<16xi32>
            %select_n3A_176 = arith.select %lt3A_172, %add3A_175, %xor3A_5 : vector<16xi1>, vector<16xi32>
            %broadcast_in_dim3A_177 = vector.shape_cast %select_n3A_176 : vector<16xi32> to vector<16x1xi32>
            %gather3A_178 = vector.shape_cast %broadcast_in_dim3A_177 : vector<16x1xi32> to vector<16xi32>
            %gather3A_179 = tpu.dynamic_gather %min3A_169[%gather3A_178] in [0] : vector<16xi32>, vector<16xi32> -> vector<16xi32>
            %min3A_180 = arith.minsi %min3A_169, %gather3A_179 : vector<16xi32>
            %lt3A_181 = arith.constant 0 : i32
            %lt3A_182 = vector.broadcast %lt3A_181 : i32 to vector<16xi32>
            %lt3A_183 = arith.cmpi slt, %xor3A_8, %lt3A_182 : vector<16xi32>
            %add3A_184 = arith.constant 16 : i32
            %add3A_185 = vector.broadcast %add3A_184 : i32 to vector<16xi32>
            %add3A_186 = arith.addi %xor3A_8, %add3A_185 : vector<16xi32>
            %select_n3A_187 = arith.select %lt3A_183, %add3A_186, %xor3A_8 : vector<16xi1>, vector<16xi32>
            %broadcast_in_dim3A_188 = vector.shape_cast %select_n3A_187 : vector<16xi32> to vector<16x1xi32>
            %gather3A_189 = vector.shape_cast %broadcast_in_dim3A_188 : vector<16x1xi32> to vector<16xi32>
            %gather3A_190 = tpu.dynamic_gather %min3A_180[%gather3A_189] in [0] : vector<16xi32>, vector<16xi32> -> vector<16xi32>
            %min3A_191 = arith.minsi %min3A_180, %gather3A_190 : vector<16xi32>
            %lt3A_192 = arith.constant 0 : i32
            %lt3A_193 = vector.broadcast %lt3A_192 : i32 to vector<16xi32>
            %lt3A_194 = arith.cmpi slt, %xor3A_11, %lt3A_193 : vector<16xi32>
            %add3A_195 = arith.constant 16 : i32
            %add3A_196 = vector.broadcast %add3A_195 : i32 to vector<16xi32>
            %add3A_197 = arith.addi %xor3A_11, %add3A_196 : vector<16xi32>
            %select_n3A_198 = arith.select %lt3A_194, %add3A_197, %xor3A_11 : vector<16xi1>, vector<16xi32>
            %broadcast_in_dim3A_199 = vector.shape_cast %select_n3A_198 : vector<16xi32> to vector<16x1xi32>
            %gather3A_200 = vector.shape_cast %broadcast_in_dim3A_199 : vector<16x1xi32> to vector<16xi32>
            %gather3A_201 = tpu.dynamic_gather %min3A_191[%gather3A_200] in [0] : vector<16xi32>, vector<16xi32> -> vector<16xi32>
            %min3A_202 = arith.minsi %min3A_191, %gather3A_201 : vector<16xi32>
            %lt3A_203 = arith.constant 0 : i32
            %lt3A_204 = vector.broadcast %lt3A_203 : i32 to vector<16xi32>
            %lt3A_205 = arith.cmpi slt, %xor3A_14, %lt3A_204 : vector<16xi32>
            %add3A_206 = arith.constant 16 : i32
            %add3A_207 = vector.broadcast %add3A_206 : i32 to vector<16xi32>
            %add3A_208 = arith.addi %xor3A_14, %add3A_207 : vector<16xi32>
            %select_n3A_209 = arith.select %lt3A_205, %add3A_208, %xor3A_14 : vector<16xi1>, vector<16xi32>
            %broadcast_in_dim3A_210 = vector.shape_cast %select_n3A_209 : vector<16xi32> to vector<16x1xi32>
            %gather3A_211 = vector.shape_cast %broadcast_in_dim3A_210 : vector<16x1xi32> to vector<16xi32>
            %gather3A_212 = tpu.dynamic_gather %min3A_202[%gather3A_211] in [0] : vector<16xi32>, vector<16xi32> -> vector<16xi32>
            %min3A_213 = arith.minsi %min3A_202, %gather3A_212 : vector<16xi32>
            %eq3A_214 = arith.cmpi eq, %iota3A, %min3A_213 : vector<16xi32>
            %jit3A = arith.constant 1 : i32
            %jit3A_215 = arith.constant 0 : i32
            %broadcast_in_dim3A_216 = vector.broadcast %jit3A : i32 to vector<16xi32>
            %broadcast_in_dim3A_217 = vector.broadcast %jit3A_215 : i32 to vector<16xi32>
            %select_n3A_218 = arith.select %eq3A_214, %broadcast_in_dim3A_216, %broadcast_in_dim3A_217 : vector<16xi1>, vector<16xi32>
            %add3A_219 = arith.addi %scan3A_56, %select_n3A_218 : vector<16xi32>
            %add3A_220 = arith.constant 16 : i32
            %add3A_221 = vector.broadcast %add3A_220 : i32 to vector<16xi32>
            %add3A_222 = arith.addi %iota3A, %add3A_221 : vector<16xi32>
            %eq3A_223 = arith.cmpi eq, %add3A_222, %min3A_213 : vector<16xi32>
            %jit3A_224 = arith.constant 1 : i32
            %jit3A_225 = arith.constant 0 : i32
            %broadcast_in_dim3A_226 = vector.broadcast %jit3A_224 : i32 to vector<16xi32>
            %broadcast_in_dim3A_227 = vector.broadcast %jit3A_225 : i32 to vector<16xi32>
            %select_n3A_228 = arith.select %eq3A_223, %broadcast_in_dim3A_226, %broadcast_in_dim3A_227 : vector<16xi1>, vector<16xi32>
            %add3A_229 = arith.addi %scan3A_57, %select_n3A_228 : vector<16xi32>
            %add3A_230 = arith.constant 32 : i32
            %add3A_231 = vector.broadcast %add3A_230 : i32 to vector<16xi32>
            %add3A_232 = arith.addi %iota3A, %add3A_231 : vector<16xi32>
            %eq3A_233 = arith.cmpi eq, %add3A_232, %min3A_213 : vector<16xi32>
            %jit3A_234 = arith.constant 1 : i32
            %jit3A_235 = arith.constant 0 : i32
            %broadcast_in_dim3A_236 = vector.broadcast %jit3A_234 : i32 to vector<16xi32>
            %broadcast_in_dim3A_237 = vector.broadcast %jit3A_235 : i32 to vector<16xi32>
            %select_n3A_238 = arith.select %eq3A_233, %broadcast_in_dim3A_236, %broadcast_in_dim3A_237 : vector<16xi1>, vector<16xi32>
            %add3A_239 = arith.addi %scan3A_58, %select_n3A_238 : vector<16xi32>
            %add3A_240 = arith.constant 48 : i32
            %add3A_241 = vector.broadcast %add3A_240 : i32 to vector<16xi32>
            %add3A_242 = arith.addi %iota3A, %add3A_241 : vector<16xi32>
            %eq3A_243 = arith.cmpi eq, %add3A_242, %min3A_213 : vector<16xi32>
            %jit3A_244 = arith.constant 1 : i32
            %jit3A_245 = arith.constant 0 : i32
            %broadcast_in_dim3A_246 = vector.broadcast %jit3A_244 : i32 to vector<16xi32>
            %broadcast_in_dim3A_247 = vector.broadcast %jit3A_245 : i32 to vector<16xi32>
            %select_n3A_248 = arith.select %eq3A_243, %broadcast_in_dim3A_246, %broadcast_in_dim3A_247 : vector<16xi1>, vector<16xi32>
            %add3A_249 = arith.addi %scan3A_59, %select_n3A_248 : vector<16xi32>
            %eq3A_250 = vector.broadcast %scan3A_55 : i32 to vector<16xi32>
            %eq3A_251 = arith.cmpi eq, %iota3A, %eq3A_250 : vector<16xi32>
            %select_n3A_252 = arith.select %eq3A_251, %min3A_213, %scan3A_60 : vector<16xi1>, vector<16xi32>
            scf.yield %add3A_219, %add3A_229, %add3A_239, %add3A_249, %select_n3A_252 : vector<16xi32>, vector<16xi32>, vector<16xi32>, vector<16xi32>, vector<16xi32>
          }
          %scan3A_47 = arith.constant 16 : i32
          %mul3A_48 = arith.constant 512 : i32
          %mul3A_49 = arith.muli %scan3A_23, %mul3A_48 : i32
          %mul3A_50 = arith.constant 16 : i32
          %mul3A_51 = arith.muli %scan3A_35, %mul3A_50 : i32
          %add3A = arith.addi %mul3A_49, %mul3A_51 : i32
          %swap3A = arith.index_cast %add3A : i32 to index
          %swap3A_52 = tpu.vector_load %arg5[%swap3A] {strides = array<i32>} : memref<8192xi32, #tpu.memory_space<vmem>>, vector<16xi32>,
          %swap3A_53 = vector.shape_cast %swap3A_52 : vector<16xi32> to vector<16xi32>
          %swap3A_54 = vector.shape_cast %scan3A_46#4 : vector<16xi32> to vector<16xi32>
          tpu.vector_store %arg5[%swap3A], %swap3A_54 {strides = array<i32>} : memref<8192xi32, #tpu.memory_space<vmem>>, vector<16xi32>,
          scf.yield %scan3A_46#0, %scan3A_46#1, %scan3A_46#2, %scan3A_46#3 : vector<16xi32>, vector<16xi32>, vector<16xi32>, vector<16xi32>
        }
        %scan3A_34 = arith.constant 32 : i32
        scf.yield %scan3A_33#0, %scan3A_33#1, %scan3A_33#2, %scan3A_33#3 : vector<16xi32>, vector<16xi32>, vector<16xi32>, vector<16xi32>
      }
      %scan3A_22 = arith.constant 16 : i32
      "tpu.region"() ({
        %run_scoped3A = tpu.sem_alloc : memref<!tpu.dma_semaphore, #tpu.memory_space<semaphore_mem>>
        tpu.enqueue_dma source(%arg5 : memref<8192xi32, #tpu.memory_space<vmem>>) target(%arg3 : memref<8192xi32, #tpu.memory_space<hbm>>) target_semaphore(%run_scoped3A : memref<!tpu.dma_semaphore, #tpu.memory_space<semaphore_mem>>)
        tpu.wait_dma2 semaphore(%run_scoped3A : memref<!tpu.dma_semaphore, #tpu.memory_space<semaphore_mem>>) src(%arg5 : memref<8192xi32, #tpu.memory_space<vmem>>) dst(%arg3 : memref<8192xi32, #tpu.memory_space<hbm>>)
        tpu.yield
      }) : () -> ()
    } else {
    }
    return
  }
}

#map = affine_map<(d0, d1) -> (0)>
module attributes {stable_mosaic.version = 14 : i64} {
  func.func @_greedy_body(%arg0: i32, %arg1: i32, %arg2: memref<524288xf32, #tpu.memory_space<hbm>>, %arg3: memref<8192xi32, #tpu.memory_space<hbm>>, %arg4: memref<32768xf32, #tpu.memory_space<vmem>>, %arg5: memref<8192xi32, #tpu.memory_space<vmem>>) attributes {dimension_semantics = [#tpu.dimension_semantics<core_parallel>, #tpu.dimension_semantics<subcore_parallel>], iteration_bounds = array<i64: 2, 16>, scalar_prefetch = 0 : i64, scratch_operands = 2 : i64, tpu.core_type = #tpu.core_type<sc_vector_subcore>, window_params = [{transform_indices = #map}, {transform_indices = #map}]} {
    %eq3A = arith.constant 0 : i32
    %eq3A_0 = arith.cmpi eq, %arg0, %eq3A : i32
    %eq3A_1 = arith.constant 0 : i32
    %eq3A_2 = arith.cmpi eq, %arg1, %eq3A_1 : i32
    %and3A = arith.andi %eq3A_0, %eq3A_2 : i1
    %convert_element_type3A = arith.extui %and3A : i1 to i32
    %cond3A = arith.constant 0 : i32
    %cond3A_3 = arith.cmpi ne, %convert_element_type3A, %cond3A : i32
    scf.if %cond3A_3 {
      %iota3A = tpu.iota {dimensions = array<i32: 0>} : vector<16xi32>
      %xor3A = arith.constant 8 : i32
      %xor3A_4 = vector.broadcast %xor3A : i32 to vector<16xi32>
      %xor3A_5 = arith.xori %iota3A, %xor3A_4 : vector<16xi32>
      %xor3A_6 = arith.constant 4 : i32
      %xor3A_7 = vector.broadcast %xor3A_6 : i32 to vector<16xi32>
      %xor3A_8 = arith.xori %iota3A, %xor3A_7 : vector<16xi32>
      %xor3A_9 = arith.constant 2 : i32
      %xor3A_10 = vector.broadcast %xor3A_9 : i32 to vector<16xi32>
      %xor3A_11 = arith.xori %iota3A, %xor3A_10 : vector<16xi32>
      %xor3A_12 = arith.constant 1 : i32
      %xor3A_13 = vector.broadcast %xor3A_12 : i32 to vector<16xi32>
      %xor3A_14 = arith.xori %iota3A, %xor3A_13 : vector<16xi32>
      %broadcast_in_dim3A = arith.constant 0 : i32
      %broadcast_in_dim3A_15 = vector.broadcast %broadcast_in_dim3A : i32 to vector<16xi32>
      %scan3A = arith.constant 3.000000e+38 : f32
      %scan3A_16 = arith.constant 1048576 : i32
      %scan3A_17 = arith.constant 0 : i32
      %scan3A_18 = arith.constant 16 : i32
      %scan3A_19 = arith.addi %scan3A_17, %scan3A_18 : i32
      %scan3A_20 = arith.constant 1 : i32
      %scan3A_21:4 = scf.for %scan3A_23 = %scan3A_17 to %scan3A_19 step %scan3A_20 iter_args(%scan3A_24 = %broadcast_in_dim3A_15, %scan3A_25 = %broadcast_in_dim3A_15, %scan3A_26 = %broadcast_in_dim3A_15, %scan3A_27 = %broadcast_in_dim3A_15) -> (vector<16xi32>, vector<16xi32>, vector<16xi32>, vector<16xi32>)  : i32 {
        %mul3A = arith.constant 32768 : i32
        %mul3A_28 = arith.muli %scan3A_23, %mul3A : i32
        "tpu.region"() ({
          %run_scoped3A = tpu.sem_alloc : memref<!tpu.dma_semaphore, #tpu.memory_space<semaphore_mem>>
          %dma_start3A = tpu.memref_slice %arg2[%mul3A_28] : memref<524288xf32, #tpu.memory_space<hbm>> -> memref<32768xf32, #tpu.memory_space<hbm>>
          %dma_start3A_35 = tpu.memref_slice %arg2[%mul3A_28] : memref<524288xf32, #tpu.memory_space<hbm>> -> memref<32768xf32, #tpu.memory_space<hbm>>
          tpu.enqueue_dma source(%dma_start3A_35 : memref<32768xf32, #tpu.memory_space<hbm>>) target(%arg4 : memref<32768xf32, #tpu.memory_space<vmem>>) target_semaphore(%run_scoped3A : memref<!tpu.dma_semaphore, #tpu.memory_space<semaphore_mem>>)
          %dma_wait3A = tpu.memref_slice %arg2[%mul3A_28] : memref<524288xf32, #tpu.memory_space<hbm>> -> memref<32768xf32, #tpu.memory_space<hbm>>
          %dma_wait3A_36 = tpu.memref_slice %arg2[%mul3A_28] : memref<524288xf32, #tpu.memory_space<hbm>> -> memref<32768xf32, #tpu.memory_space<hbm>>
          tpu.wait_dma2 semaphore(%run_scoped3A : memref<!tpu.dma_semaphore, #tpu.memory_space<semaphore_mem>>) src(%dma_wait3A_36 : memref<32768xf32, #tpu.memory_space<hbm>>) dst(%arg4 : memref<32768xf32, #tpu.memory_space<vmem>>)
          tpu.yield
        }) : () -> ()
        %scan3A_29 = arith.constant 0 : i32
        %scan3A_30 = arith.constant 32 : i32
        %scan3A_31 = arith.addi %scan3A_29, %scan3A_30 : i32
        %scan3A_32 = arith.constant 1 : i32
        %scan3A_33:4 = scf.for %scan3A_35 = %scan3A_29 to %scan3A_31 step %scan3A_32 iter_args(%scan3A_36 = %scan3A_24, %scan3A_37 = %scan3A_25, %scan3A_38 = %scan3A_26, %scan3A_39 = %scan3A_27) -> (vector<16xi32>, vector<16xi32>, vector<16xi32>, vector<16xi32>)  : i32 {
          %broadcast_in_dim3A_40 = arith.constant 0 : i32
          %broadcast_in_dim3A_41 = vector.broadcast %broadcast_in_dim3A_40 : i32 to vector<16xi32>
          %scan3A_42 = arith.constant 0 : i32
          %scan3A_43 = arith.constant 16 : i32
          %scan3A_44 = arith.addi %scan3A_42, %scan3A_43 : i32
          %scan3A_45 = arith.constant 1 : i32
          %scan3A_46:5 = scf.for %scan3A_55 = %scan3A_42 to %scan3A_44 step %scan3A_45 iter_args(%scan3A_56 = %scan3A_36, %scan3A_57 = %scan3A_37, %scan3A_58 = %scan3A_38, %scan3A_59 = %scan3A_39, %scan3A_60 = %broadcast_in_dim3A_41) -> (vector<16xi32>, vector<16xi32>, vector<16xi32>, vector<16xi32>, vector<16xi32>)  : i32 {
            %mul3A_61 = arith.constant 16 : i32
            %mul3A_62 = arith.muli %scan3A_35, %mul3A_61 : i32
            %add3A_63 = arith.addi %mul3A_62, %scan3A_55 : i32
            %mul3A_64 = arith.constant 64 : i32
            %mul3A_65 = arith.muli %add3A_63, %mul3A_64 : i32
            %get3A = arith.index_cast %mul3A_65 : i32 to index
            %get3A_66 = tpu.vector_load %arg4[%get3A] {strides = array<i32>} : memref<32768xf32, #tpu.memory_space<vmem>>, vector<16xf32>,
            %get3A_67 = vector.shape_cast %get3A_66 : vector<16xf32> to vector<16xf32>
            %add3A_68 = arith.constant 16 : i32
            %add3A_69 = arith.addi %mul3A_65, %add3A_68 : i32
            %get3A_70 = arith.index_cast %add3A_69 : i32 to index
            %get3A_71 = tpu.vector_load %arg4[%get3A_70] {strides = array<i32>} : memref<32768xf32, #tpu.memory_space<vmem>>, vector<16xf32>,
            %get3A_72 = vector.shape_cast %get3A_71 : vector<16xf32> to vector<16xf32>
            %add3A_73 = arith.constant 32 : i32
            %add3A_74 = arith.addi %mul3A_65, %add3A_73 : i32
            %get3A_75 = arith.index_cast %add3A_74 : i32 to index
            %get3A_76 = tpu.vector_load %arg4[%get3A_75] {strides = array<i32>} : memref<32768xf32, #tpu.memory_space<vmem>>, vector<16xf32>,
            %get3A_77 = vector.shape_cast %get3A_76 : vector<16xf32> to vector<16xf32>
            %add3A_78 = arith.constant 48 : i32
            %add3A_79 = arith.addi %mul3A_65, %add3A_78 : i32
            %get3A_80 = arith.index_cast %add3A_79 : i32 to index
            %get3A_81 = tpu.vector_load %arg4[%get3A_80] {strides = array<i32>} : memref<32768xf32, #tpu.memory_space<vmem>>, vector<16xf32>,
            %get3A_82 = vector.shape_cast %get3A_81 : vector<16xf32> to vector<16xf32>
            %lt3A = arith.constant 128 : i32
            %lt3A_83 = vector.broadcast %lt3A : i32 to vector<16xi32>
            %lt3A_84 = arith.cmpi slt, %scan3A_56, %lt3A_83 : vector<16xi32>
            %broadcast_in_dim3A_85 = vector.broadcast %scan3A : f32 to vector<16xf32>
            %select_n3A = arith.select %lt3A_84, %get3A_67, %broadcast_in_dim3A_85 : vector<16xi1>, vector<16xf32>
            %lt3A_86 = arith.constant 128 : i32
            %lt3A_87 = vector.broadcast %lt3A_86 : i32 to vector<16xi32>
            %lt3A_88 = arith.cmpi slt, %scan3A_57, %lt3A_87 : vector<16xi32>
            %broadcast_in_dim3A_89 = vector.broadcast %scan3A : f32 to vector<16xf32>
            %select_n3A_90 = arith.select %lt3A_88, %get3A_72, %broadcast_in_dim3A_89 : vector<16xi1>, vector<16xf32>
            %lt3A_91 = arith.constant 128 : i32
            %lt3A_92 = vector.broadcast %lt3A_91 : i32 to vector<16xi32>
            %lt3A_93 = arith.cmpi slt, %scan3A_58, %lt3A_92 : vector<16xi32>
            %broadcast_in_dim3A_94 = vector.broadcast %scan3A : f32 to vector<16xf32>
            %select_n3A_95 = arith.select %lt3A_93, %get3A_77, %broadcast_in_dim3A_94 : vector<16xi1>, vector<16xf32>
            %lt3A_96 = arith.constant 128 : i32
            %lt3A_97 = vector.broadcast %lt3A_96 : i32 to vector<16xi32>
            %lt3A_98 = arith.cmpi slt, %scan3A_59, %lt3A_97 : vector<16xi32>
            %broadcast_in_dim3A_99 = vector.broadcast %scan3A : f32 to vector<16xf32>
            %select_n3A_100 = arith.select %lt3A_98, %get3A_82, %broadcast_in_dim3A_99 : vector<16xi1>, vector<16xf32>
            %min3A = arith.minimumf %select_n3A, %select_n3A_90 : vector<16xf32>
            %min3A_101 = arith.minimumf %select_n3A_95, %select_n3A_100 : vector<16xf32>
            %min3A_102 = arith.minimumf %min3A, %min3A_101 : vector<16xf32>
            %lt3A_103 = arith.constant 0 : i32
            %lt3A_104 = vector.broadcast %lt3A_103 : i32 to vector<16xi32>
            %lt3A_105 = arith.cmpi slt, %xor3A_5, %lt3A_104 : vector<16xi32>
            %add3A_106 = arith.constant 16 : i32
            %add3A_107 = vector.broadcast %add3A_106 : i32 to vector<16xi32>
            %add3A_108 = arith.addi %xor3A_5, %add3A_107 : vector<16xi32>
            %select_n3A_109 = arith.select %lt3A_105, %add3A_108, %xor3A_5 : vector<16xi1>, vector<16xi32>
            %broadcast_in_dim3A_110 = vector.shape_cast %select_n3A_109 : vector<16xi32> to vector<16x1xi32>
            %gather3A = vector.shape_cast %broadcast_in_dim3A_110 : vector<16x1xi32> to vector<16xi32>
            %gather3A_111 = tpu.dynamic_gather %min3A_102[%gather3A] in [0] : vector<16xf32>, vector<16xi32> -> vector<16xf32>
            %min3A_112 = arith.minimumf %min3A_102, %gather3A_111 : vector<16xf32>
            %lt3A_113 = arith.constant 0 : i32
            %lt3A_114 = vector.broadcast %lt3A_113 : i32 to vector<16xi32>
            %lt3A_115 = arith.cmpi slt, %xor3A_8, %lt3A_114 : vector<16xi32>
            %add3A_116 = arith.constant 16 : i32
            %add3A_117 = vector.broadcast %add3A_116 : i32 to vector<16xi32>
            %add3A_118 = arith.addi %xor3A_8, %add3A_117 : vector<16xi32>
            %select_n3A_119 = arith.select %lt3A_115, %add3A_118, %xor3A_8 : vector<16xi1>, vector<16xi32>
            %broadcast_in_dim3A_120 = vector.shape_cast %select_n3A_119 : vector<16xi32> to vector<16x1xi32>
            %gather3A_121 = vector.shape_cast %broadcast_in_dim3A_120 : vector<16x1xi32> to vector<16xi32>
            %gather3A_122 = tpu.dynamic_gather %min3A_112[%gather3A_121] in [0] : vector<16xf32>, vector<16xi32> -> vector<16xf32>
            %min3A_123 = arith.minimumf %min3A_112, %gather3A_122 : vector<16xf32>
            %lt3A_124 = arith.constant 0 : i32
            %lt3A_125 = vector.broadcast %lt3A_124 : i32 to vector<16xi32>
            %lt3A_126 = arith.cmpi slt, %xor3A_11, %lt3A_125 : vector<16xi32>
            %add3A_127 = arith.constant 16 : i32
            %add3A_128 = vector.broadcast %add3A_127 : i32 to vector<16xi32>
            %add3A_129 = arith.addi %xor3A_11, %add3A_128 : vector<16xi32>
            %select_n3A_130 = arith.select %lt3A_126, %add3A_129, %xor3A_11 : vector<16xi1>, vector<16xi32>
            %broadcast_in_dim3A_131 = vector.shape_cast %select_n3A_130 : vector<16xi32> to vector<16x1xi32>
            %gather3A_132 = vector.shape_cast %broadcast_in_dim3A_131 : vector<16x1xi32> to vector<16xi32>
            %gather3A_133 = tpu.dynamic_gather %min3A_123[%gather3A_132] in [0] : vector<16xf32>, vector<16xi32> -> vector<16xf32>
            %min3A_134 = arith.minimumf %min3A_123, %gather3A_133 : vector<16xf32>
            %lt3A_135 = arith.constant 0 : i32
            %lt3A_136 = vector.broadcast %lt3A_135 : i32 to vector<16xi32>
            %lt3A_137 = arith.cmpi slt, %xor3A_14, %lt3A_136 : vector<16xi32>
            %add3A_138 = arith.constant 16 : i32
            %add3A_139 = vector.broadcast %add3A_138 : i32 to vector<16xi32>
            %add3A_140 = arith.addi %xor3A_14, %add3A_139 : vector<16xi32>
            %select_n3A_141 = arith.select %lt3A_137, %add3A_140, %xor3A_14 : vector<16xi1>, vector<16xi32>
            %broadcast_in_dim3A_142 = vector.shape_cast %select_n3A_141 : vector<16xi32> to vector<16x1xi32>
            %gather3A_143 = vector.shape_cast %broadcast_in_dim3A_142 : vector<16x1xi32> to vector<16xi32>
            %gather3A_144 = tpu.dynamic_gather %min3A_134[%gather3A_143] in [0] : vector<16xf32>, vector<16xi32> -> vector<16xf32>
            %min3A_145 = arith.minimumf %min3A_134, %gather3A_144 : vector<16xf32>
            %eq3A_146 = arith.cmpf oeq, %select_n3A, %min3A_145 : vector<16xf32>
            %broadcast_in_dim3A_147 = vector.broadcast %scan3A_16 : i32 to vector<16xi32>
            %select_n3A_148 = arith.select %eq3A_146, %iota3A, %broadcast_in_dim3A_147 : vector<16xi1>, vector<16xi32>
            %eq3A_149 = arith.cmpf oeq, %select_n3A_90, %min3A_145 : vector<16xf32>
            %add3A_150 = arith.constant 16 : i32
            %add3A_151 = vector.broadcast %add3A_150 : i32 to vector<16xi32>
            %add3A_152 = arith.addi %iota3A, %add3A_151 : vector<16xi32>
            %broadcast_in_dim3A_153 = vector.broadcast %scan3A_16 : i32 to vector<16xi32>
            %select_n3A_154 = arith.select %eq3A_149, %add3A_152, %broadcast_in_dim3A_153 : vector<16xi1>, vector<16xi32>
            %eq3A_155 = arith.cmpf oeq, %select_n3A_95, %min3A_145 : vector<16xf32>
            %add3A_156 = arith.constant 32 : i32
            %add3A_157 = vector.broadcast %add3A_156 : i32 to vector<16xi32>
            %add3A_158 = arith.addi %iota3A, %add3A_157 : vector<16xi32>
            %broadcast_in_dim3A_159 = vector.broadcast %scan3A_16 : i32 to vector<16xi32>
            %select_n3A_160 = arith.select %eq3A_155, %add3A_158, %broadcast_in_dim3A_159 : vector<16xi1>, vector<16xi32>
            %eq3A_161 = arith.cmpf oeq, %select_n3A_100, %min3A_145 : vector<16xf32>
            %add3A_162 = arith.constant 48 : i32
            %add3A_163 = vector.broadcast %add3A_162 : i32 to vector<16xi32>
            %add3A_164 = arith.addi %iota3A, %add3A_163 : vector<16xi32>
            %broadcast_in_dim3A_165 = vector.broadcast %scan3A_16 : i32 to vector<16xi32>
            %select_n3A_166 = arith.select %eq3A_161, %add3A_164, %broadcast_in_dim3A_165 : vector<16xi1>, vector<16xi32>
            %min3A_167 = arith.minsi %select_n3A_148, %select_n3A_154 : vector<16xi32>
            %min3A_168 = arith.minsi %select_n3A_160, %select_n3A_166 : vector<16xi32>
            %min3A_169 = arith.minsi %min3A_167, %min3A_168 : vector<16xi32>
            %lt3A_170 = arith.constant 0 : i32
            %lt3A_171 = vector.broadcast %lt3A_170 : i32 to vector<16xi32>
            %lt3A_172 = arith.cmpi slt, %xor3A_5, %lt3A_171 : vector<16xi32>
            %add3A_173 = arith.constant 16 : i32
            %add3A_174 = vector.broadcast %add3A_173 : i32 to vector<16xi32>
            %add3A_175 = arith.addi %xor3A_5, %add3A_174 : vector<16xi32>
            %select_n3A_176 = arith.select %lt3A_172, %add3A_175, %xor3A_5 : vector<16xi1>, vector<16xi32>
            %broadcast_in_dim3A_177 = vector.shape_cast %select_n3A_176 : vector<16xi32> to vector<16x1xi32>
            %gather3A_178 = vector.shape_cast %broadcast_in_dim3A_177 : vector<16x1xi32> to vector<16xi32>
            %gather3A_179 = tpu.dynamic_gather %min3A_169[%gather3A_178] in [0] : vector<16xi32>, vector<16xi32> -> vector<16xi32>
            %min3A_180 = arith.minsi %min3A_169, %gather3A_179 : vector<16xi32>
            %lt3A_181 = arith.constant 0 : i32
            %lt3A_182 = vector.broadcast %lt3A_181 : i32 to vector<16xi32>
            %lt3A_183 = arith.cmpi slt, %xor3A_8, %lt3A_182 : vector<16xi32>
            %add3A_184 = arith.constant 16 : i32
            %add3A_185 = vector.broadcast %add3A_184 : i32 to vector<16xi32>
            %add3A_186 = arith.addi %xor3A_8, %add3A_185 : vector<16xi32>
            %select_n3A_187 = arith.select %lt3A_183, %add3A_186, %xor3A_8 : vector<16xi1>, vector<16xi32>
            %broadcast_in_dim3A_188 = vector.shape_cast %select_n3A_187 : vector<16xi32> to vector<16x1xi32>
            %gather3A_189 = vector.shape_cast %broadcast_in_dim3A_188 : vector<16x1xi32> to vector<16xi32>
            %gather3A_190 = tpu.dynamic_gather %min3A_180[%gather3A_189] in [0] : vector<16xi32>, vector<16xi32> -> vector<16xi32>
            %min3A_191 = arith.minsi %min3A_180, %gather3A_190 : vector<16xi32>
            %lt3A_192 = arith.constant 0 : i32
            %lt3A_193 = vector.broadcast %lt3A_192 : i32 to vector<16xi32>
            %lt3A_194 = arith.cmpi slt, %xor3A_11, %lt3A_193 : vector<16xi32>
            %add3A_195 = arith.constant 16 : i32
            %add3A_196 = vector.broadcast %add3A_195 : i32 to vector<16xi32>
            %add3A_197 = arith.addi %xor3A_11, %add3A_196 : vector<16xi32>
            %select_n3A_198 = arith.select %lt3A_194, %add3A_197, %xor3A_11 : vector<16xi1>, vector<16xi32>
            %broadcast_in_dim3A_199 = vector.shape_cast %select_n3A_198 : vector<16xi32> to vector<16x1xi32>
            %gather3A_200 = vector.shape_cast %broadcast_in_dim3A_199 : vector<16x1xi32> to vector<16xi32>
            %gather3A_201 = tpu.dynamic_gather %min3A_191[%gather3A_200] in [0] : vector<16xi32>, vector<16xi32> -> vector<16xi32>
            %min3A_202 = arith.minsi %min3A_191, %gather3A_201 : vector<16xi32>
            %lt3A_203 = arith.constant 0 : i32
            %lt3A_204 = vector.broadcast %lt3A_203 : i32 to vector<16xi32>
            %lt3A_205 = arith.cmpi slt, %xor3A_14, %lt3A_204 : vector<16xi32>
            %add3A_206 = arith.constant 16 : i32
            %add3A_207 = vector.broadcast %add3A_206 : i32 to vector<16xi32>
            %add3A_208 = arith.addi %xor3A_14, %add3A_207 : vector<16xi32>
            %select_n3A_209 = arith.select %lt3A_205, %add3A_208, %xor3A_14 : vector<16xi1>, vector<16xi32>
            %broadcast_in_dim3A_210 = vector.shape_cast %select_n3A_209 : vector<16xi32> to vector<16x1xi32>
            %gather3A_211 = vector.shape_cast %broadcast_in_dim3A_210 : vector<16x1xi32> to vector<16xi32>
            %gather3A_212 = tpu.dynamic_gather %min3A_202[%gather3A_211] in [0] : vector<16xi32>, vector<16xi32> -> vector<16xi32>
            %min3A_213 = arith.minsi %min3A_202, %gather3A_212 : vector<16xi32>
            %eq3A_214 = arith.cmpi eq, %iota3A, %min3A_213 : vector<16xi32>
            %jit3A = arith.constant 1 : i32
            %jit3A_215 = arith.constant 0 : i32
            %broadcast_in_dim3A_216 = vector.broadcast %jit3A : i32 to vector<16xi32>
            %broadcast_in_dim3A_217 = vector.broadcast %jit3A_215 : i32 to vector<16xi32>
            %select_n3A_218 = arith.select %eq3A_214, %broadcast_in_dim3A_216, %broadcast_in_dim3A_217 : vector<16xi1>, vector<16xi32>
            %add3A_219 = arith.addi %scan3A_56, %select_n3A_218 : vector<16xi32>
            %add3A_220 = arith.constant 16 : i32
            %add3A_221 = vector.broadcast %add3A_220 : i32 to vector<16xi32>
            %add3A_222 = arith.addi %iota3A, %add3A_221 : vector<16xi32>
            %eq3A_223 = arith.cmpi eq, %add3A_222, %min3A_213 : vector<16xi32>
            %jit3A_224 = arith.constant 1 : i32
            %jit3A_225 = arith.constant 0 : i32
            %broadcast_in_dim3A_226 = vector.broadcast %jit3A_224 : i32 to vector<16xi32>
            %broadcast_in_dim3A_227 = vector.broadcast %jit3A_225 : i32 to vector<16xi32>
            %select_n3A_228 = arith.select %eq3A_223, %broadcast_in_dim3A_226, %broadcast_in_dim3A_227 : vector<16xi1>, vector<16xi32>
            %add3A_229 = arith.addi %scan3A_57, %select_n3A_228 : vector<16xi32>
            %add3A_230 = arith.constant 32 : i32
            %add3A_231 = vector.broadcast %add3A_230 : i32 to vector<16xi32>
            %add3A_232 = arith.addi %iota3A, %add3A_231 : vector<16xi32>
            %eq3A_233 = arith.cmpi eq, %add3A_232, %min3A_213 : vector<16xi32>
            %jit3A_234 = arith.constant 1 : i32
            %jit3A_235 = arith.constant 0 : i32
            %broadcast_in_dim3A_236 = vector.broadcast %jit3A_234 : i32 to vector<16xi32>
            %broadcast_in_dim3A_237 = vector.broadcast %jit3A_235 : i32 to vector<16xi32>
            %select_n3A_238 = arith.select %eq3A_233, %broadcast_in_dim3A_236, %broadcast_in_dim3A_237 : vector<16xi1>, vector<16xi32>
            %add3A_239 = arith.addi %scan3A_58, %select_n3A_238 : vector<16xi32>
            %add3A_240 = arith.constant 48 : i32
            %add3A_241 = vector.broadcast %add3A_240 : i32 to vector<16xi32>
            %add3A_242 = arith.addi %iota3A, %add3A_241 : vector<16xi32>
            %eq3A_243 = arith.cmpi eq, %add3A_242, %min3A_213 : vector<16xi32>
            %jit3A_244 = arith.constant 1 : i32
            %jit3A_245 = arith.constant 0 : i32
            %broadcast_in_dim3A_246 = vector.broadcast %jit3A_244 : i32 to vector<16xi32>
            %broadcast_in_dim3A_247 = vector.broadcast %jit3A_245 : i32 to vector<16xi32>
            %select_n3A_248 = arith.select %eq3A_243, %broadcast_in_dim3A_246, %broadcast_in_dim3A_247 : vector<16xi1>, vector<16xi32>
            %add3A_249 = arith.addi %scan3A_59, %select_n3A_248 : vector<16xi32>
            %eq3A_250 = vector.broadcast %scan3A_55 : i32 to vector<16xi32>
            %eq3A_251 = arith.cmpi eq, %iota3A, %eq3A_250 : vector<16xi32>
            %select_n3A_252 = arith.select %eq3A_251, %min3A_213, %scan3A_60 : vector<16xi1>, vector<16xi32>
            scf.yield %add3A_219, %add3A_229, %add3A_239, %add3A_249, %select_n3A_252 : vector<16xi32>, vector<16xi32>, vector<16xi32>, vector<16xi32>, vector<16xi32>
          }
          %scan3A_47 = arith.constant 16 : i32
          %mul3A_48 = arith.constant 512 : i32
          %mul3A_49 = arith.muli %scan3A_23, %mul3A_48 : i32
          %mul3A_50 = arith.constant 16 : i32
          %mul3A_51 = arith.muli %scan3A_35, %mul3A_50 : i32
          %add3A = arith.addi %mul3A_49, %mul3A_51 : i32
          %swap3A = arith.index_cast %add3A : i32 to index
          %swap3A_52 = tpu.vector_load %arg5[%swap3A] {strides = array<i32>} : memref<8192xi32, #tpu.memory_space<vmem>>, vector<16xi32>,
          %swap3A_53 = vector.shape_cast %swap3A_52 : vector<16xi32> to vector<16xi32>
          %swap3A_54 = vector.shape_cast %scan3A_46#4 : vector<16xi32> to vector<16xi32>
          tpu.vector_store %arg5[%swap3A], %swap3A_54 {strides = array<i32>} : memref<8192xi32, #tpu.memory_space<vmem>>, vector<16xi32>,
          scf.yield %scan3A_46#0, %scan3A_46#1, %scan3A_46#2, %scan3A_46#3 : vector<16xi32>, vector<16xi32>, vector<16xi32>, vector<16xi32>
        }
        %scan3A_34 = arith.constant 32 : i32
        scf.yield %scan3A_33#0, %scan3A_33#1, %scan3A_33#2, %scan3A_33#3 : vector<16xi32>, vector<16xi32>, vector<16xi32>, vector<16xi32>
      }
      %scan3A_22 = arith.constant 16 : i32
      "tpu.region"() ({
        %run_scoped3A = tpu.sem_alloc : memref<!tpu.dma_semaphore, #tpu.memory_space<semaphore_mem>>
        tpu.enqueue_dma source(%arg5 : memref<8192xi32, #tpu.memory_space<vmem>>) target(%arg3 : memref<8192xi32, #tpu.memory_space<hbm>>) target_semaphore(%run_scoped3A : memref<!tpu.dma_semaphore, #tpu.memory_space<semaphore_mem>>)
        tpu.wait_dma2 semaphore(%run_scoped3A : memref<!tpu.dma_semaphore, #tpu.memory_space<semaphore_mem>>) src(%arg5 : memref<8192xi32, #tpu.memory_space<vmem>>) dst(%arg3 : memref<8192xi32, #tpu.memory_space<hbm>>)
        tpu.yield
      }) : () -> ()
    } else {
    }
    return
  }
}

#map = affine_map<(d0, d1) -> (0)>
module attributes {stable_mosaic.version = 14 : i64} {
  func.func @_greedy_body(%arg0: i32, %arg1: i32, %arg2: memref<524288xf32, #tpu.memory_space<hbm>>, %arg3: memref<8192xi32, #tpu.memory_space<hbm>>, %arg4: memref<32768xf32, #tpu.memory_space<vmem>>, %arg5: memref<8192xi32, #tpu.memory_space<vmem>>) attributes {dimension_semantics = [#tpu.dimension_semantics<core_parallel>, #tpu.dimension_semantics<subcore_parallel>], iteration_bounds = array<i64: 2, 16>, scalar_prefetch = 0 : i64, scratch_operands = 2 : i64, tpu.core_type = #tpu.core_type<sc_vector_subcore>, window_params = [{transform_indices = #map}, {transform_indices = #map}]} {
    %eq3A = arith.constant 0 : i32
    %eq3A_0 = arith.cmpi eq, %arg0, %eq3A : i32
    %eq3A_1 = arith.constant 0 : i32
    %eq3A_2 = arith.cmpi eq, %arg1, %eq3A_1 : i32
    %and3A = arith.andi %eq3A_0, %eq3A_2 : i1
    %convert_element_type3A = arith.extui %and3A : i1 to i32
    %cond3A = arith.constant 0 : i32
    %cond3A_3 = arith.cmpi ne, %convert_element_type3A, %cond3A : i32
    scf.if %cond3A_3 {
      %iota3A = tpu.iota {dimensions = array<i32: 0>} : vector<16xi32>
      %xor3A = arith.constant 8 : i32
      %xor3A_4 = vector.broadcast %xor3A : i32 to vector<16xi32>
      %xor3A_5 = arith.xori %iota3A, %xor3A_4 : vector<16xi32>
      %xor3A_6 = arith.constant 4 : i32
      %xor3A_7 = vector.broadcast %xor3A_6 : i32 to vector<16xi32>
      %xor3A_8 = arith.xori %iota3A, %xor3A_7 : vector<16xi32>
      %xor3A_9 = arith.constant 2 : i32
      %xor3A_10 = vector.broadcast %xor3A_9 : i32 to vector<16xi32>
      %xor3A_11 = arith.xori %iota3A, %xor3A_10 : vector<16xi32>
      %xor3A_12 = arith.constant 1 : i32
      %xor3A_13 = vector.broadcast %xor3A_12 : i32 to vector<16xi32>
      %xor3A_14 = arith.xori %iota3A, %xor3A_13 : vector<16xi32>
      %broadcast_in_dim3A = arith.constant 0 : i32
      %broadcast_in_dim3A_15 = vector.broadcast %broadcast_in_dim3A : i32 to vector<16xi32>
      %scan3A = arith.constant 3.000000e+38 : f32
      %scan3A_16 = arith.constant 1048576 : i32
      %scan3A_17 = arith.constant 0 : i32
      %scan3A_18 = arith.constant 16 : i32
      %scan3A_19 = arith.addi %scan3A_17, %scan3A_18 : i32
      %scan3A_20 = arith.constant 1 : i32
      %scan3A_21:4 = scf.for %scan3A_23 = %scan3A_17 to %scan3A_19 step %scan3A_20 iter_args(%scan3A_24 = %broadcast_in_dim3A_15, %scan3A_25 = %broadcast_in_dim3A_15, %scan3A_26 = %broadcast_in_dim3A_15, %scan3A_27 = %broadcast_in_dim3A_15) -> (vector<16xi32>, vector<16xi32>, vector<16xi32>, vector<16xi32>)  : i32 {
        %mul3A = arith.constant 32768 : i32
        %mul3A_28 = arith.muli %scan3A_23, %mul3A : i32
        "tpu.region"() ({
          %run_scoped3A = tpu.sem_alloc : memref<!tpu.dma_semaphore, #tpu.memory_space<semaphore_mem>>
          %dma_start3A = tpu.memref_slice %arg2[%mul3A_28] : memref<524288xf32, #tpu.memory_space<hbm>> -> memref<32768xf32, #tpu.memory_space<hbm>>
          %dma_start3A_35 = tpu.memref_slice %arg2[%mul3A_28] : memref<524288xf32, #tpu.memory_space<hbm>> -> memref<32768xf32, #tpu.memory_space<hbm>>
          tpu.enqueue_dma source(%dma_start3A_35 : memref<32768xf32, #tpu.memory_space<hbm>>) target(%arg4 : memref<32768xf32, #tpu.memory_space<vmem>>) target_semaphore(%run_scoped3A : memref<!tpu.dma_semaphore, #tpu.memory_space<semaphore_mem>>)
          %dma_wait3A = tpu.memref_slice %arg2[%mul3A_28] : memref<524288xf32, #tpu.memory_space<hbm>> -> memref<32768xf32, #tpu.memory_space<hbm>>
          %dma_wait3A_36 = tpu.memref_slice %arg2[%mul3A_28] : memref<524288xf32, #tpu.memory_space<hbm>> -> memref<32768xf32, #tpu.memory_space<hbm>>
          tpu.wait_dma2 semaphore(%run_scoped3A : memref<!tpu.dma_semaphore, #tpu.memory_space<semaphore_mem>>) src(%dma_wait3A_36 : memref<32768xf32, #tpu.memory_space<hbm>>) dst(%arg4 : memref<32768xf32, #tpu.memory_space<vmem>>)
          tpu.yield
        }) : () -> ()
        %scan3A_29 = arith.constant 0 : i32
        %scan3A_30 = arith.constant 32 : i32
        %scan3A_31 = arith.addi %scan3A_29, %scan3A_30 : i32
        %scan3A_32 = arith.constant 1 : i32
        %scan3A_33:4 = scf.for %scan3A_35 = %scan3A_29 to %scan3A_31 step %scan3A_32 iter_args(%scan3A_36 = %scan3A_24, %scan3A_37 = %scan3A_25, %scan3A_38 = %scan3A_26, %scan3A_39 = %scan3A_27) -> (vector<16xi32>, vector<16xi32>, vector<16xi32>, vector<16xi32>)  : i32 {
          %broadcast_in_dim3A_40 = arith.constant 0 : i32
          %broadcast_in_dim3A_41 = vector.broadcast %broadcast_in_dim3A_40 : i32 to vector<16xi32>
          %scan3A_42 = arith.constant 0 : i32
          %scan3A_43 = arith.constant 16 : i32
          %scan3A_44 = arith.addi %scan3A_42, %scan3A_43 : i32
          %scan3A_45 = arith.constant 1 : i32
          %scan3A_46:5 = scf.for %scan3A_55 = %scan3A_42 to %scan3A_44 step %scan3A_45 iter_args(%scan3A_56 = %scan3A_36, %scan3A_57 = %scan3A_37, %scan3A_58 = %scan3A_38, %scan3A_59 = %scan3A_39, %scan3A_60 = %broadcast_in_dim3A_41) -> (vector<16xi32>, vector<16xi32>, vector<16xi32>, vector<16xi32>, vector<16xi32>)  : i32 {
            %mul3A_61 = arith.constant 16 : i32
            %mul3A_62 = arith.muli %scan3A_35, %mul3A_61 : i32
            %add3A_63 = arith.addi %mul3A_62, %scan3A_55 : i32
            %mul3A_64 = arith.constant 64 : i32
            %mul3A_65 = arith.muli %add3A_63, %mul3A_64 : i32
            %get3A = arith.index_cast %mul3A_65 : i32 to index
            %get3A_66 = tpu.vector_load %arg4[%get3A] {strides = array<i32>} : memref<32768xf32, #tpu.memory_space<vmem>>, vector<16xf32>,
            %get3A_67 = vector.shape_cast %get3A_66 : vector<16xf32> to vector<16xf32>
            %add3A_68 = arith.constant 16 : i32
            %add3A_69 = arith.addi %mul3A_65, %add3A_68 : i32
            %get3A_70 = arith.index_cast %add3A_69 : i32 to index
            %get3A_71 = tpu.vector_load %arg4[%get3A_70] {strides = array<i32>} : memref<32768xf32, #tpu.memory_space<vmem>>, vector<16xf32>,
            %get3A_72 = vector.shape_cast %get3A_71 : vector<16xf32> to vector<16xf32>
            %add3A_73 = arith.constant 32 : i32
            %add3A_74 = arith.addi %mul3A_65, %add3A_73 : i32
            %get3A_75 = arith.index_cast %add3A_74 : i32 to index
            %get3A_76 = tpu.vector_load %arg4[%get3A_75] {strides = array<i32>} : memref<32768xf32, #tpu.memory_space<vmem>>, vector<16xf32>,
            %get3A_77 = vector.shape_cast %get3A_76 : vector<16xf32> to vector<16xf32>
            %add3A_78 = arith.constant 48 : i32
            %add3A_79 = arith.addi %mul3A_65, %add3A_78 : i32
            %get3A_80 = arith.index_cast %add3A_79 : i32 to index
            %get3A_81 = tpu.vector_load %arg4[%get3A_80] {strides = array<i32>} : memref<32768xf32, #tpu.memory_space<vmem>>, vector<16xf32>,
            %get3A_82 = vector.shape_cast %get3A_81 : vector<16xf32> to vector<16xf32>
            %lt3A = arith.constant 128 : i32
            %lt3A_83 = vector.broadcast %lt3A : i32 to vector<16xi32>
            %lt3A_84 = arith.cmpi slt, %scan3A_56, %lt3A_83 : vector<16xi32>
            %broadcast_in_dim3A_85 = vector.broadcast %scan3A : f32 to vector<16xf32>
            %select_n3A = arith.select %lt3A_84, %get3A_67, %broadcast_in_dim3A_85 : vector<16xi1>, vector<16xf32>
            %lt3A_86 = arith.constant 128 : i32
            %lt3A_87 = vector.broadcast %lt3A_86 : i32 to vector<16xi32>
            %lt3A_88 = arith.cmpi slt, %scan3A_57, %lt3A_87 : vector<16xi32>
            %broadcast_in_dim3A_89 = vector.broadcast %scan3A : f32 to vector<16xf32>
            %select_n3A_90 = arith.select %lt3A_88, %get3A_72, %broadcast_in_dim3A_89 : vector<16xi1>, vector<16xf32>
            %lt3A_91 = arith.constant 128 : i32
            %lt3A_92 = vector.broadcast %lt3A_91 : i32 to vector<16xi32>
            %lt3A_93 = arith.cmpi slt, %scan3A_58, %lt3A_92 : vector<16xi32>
            %broadcast_in_dim3A_94 = vector.broadcast %scan3A : f32 to vector<16xf32>
            %select_n3A_95 = arith.select %lt3A_93, %get3A_77, %broadcast_in_dim3A_94 : vector<16xi1>, vector<16xf32>
            %lt3A_96 = arith.constant 128 : i32
            %lt3A_97 = vector.broadcast %lt3A_96 : i32 to vector<16xi32>
            %lt3A_98 = arith.cmpi slt, %scan3A_59, %lt3A_97 : vector<16xi32>
            %broadcast_in_dim3A_99 = vector.broadcast %scan3A : f32 to vector<16xf32>
            %select_n3A_100 = arith.select %lt3A_98, %get3A_82, %broadcast_in_dim3A_99 : vector<16xi1>, vector<16xf32>
            %min3A = arith.minimumf %select_n3A, %select_n3A_90 : vector<16xf32>
            %min3A_101 = arith.minimumf %select_n3A_95, %select_n3A_100 : vector<16xf32>
            %min3A_102 = arith.minimumf %min3A, %min3A_101 : vector<16xf32>
            %lt3A_103 = arith.constant 0 : i32
            %lt3A_104 = vector.broadcast %lt3A_103 : i32 to vector<16xi32>
            %lt3A_105 = arith.cmpi slt, %xor3A_5, %lt3A_104 : vector<16xi32>
            %add3A_106 = arith.constant 16 : i32
            %add3A_107 = vector.broadcast %add3A_106 : i32 to vector<16xi32>
            %add3A_108 = arith.addi %xor3A_5, %add3A_107 : vector<16xi32>
            %select_n3A_109 = arith.select %lt3A_105, %add3A_108, %xor3A_5 : vector<16xi1>, vector<16xi32>
            %broadcast_in_dim3A_110 = vector.shape_cast %select_n3A_109 : vector<16xi32> to vector<16x1xi32>
            %gather3A = vector.shape_cast %broadcast_in_dim3A_110 : vector<16x1xi32> to vector<16xi32>
            %gather3A_111 = tpu.dynamic_gather %min3A_102[%gather3A] in [0] : vector<16xf32>, vector<16xi32> -> vector<16xf32>
            %min3A_112 = arith.minimumf %min3A_102, %gather3A_111 : vector<16xf32>
            %lt3A_113 = arith.constant 0 : i32
            %lt3A_114 = vector.broadcast %lt3A_113 : i32 to vector<16xi32>
            %lt3A_115 = arith.cmpi slt, %xor3A_8, %lt3A_114 : vector<16xi32>
            %add3A_116 = arith.constant 16 : i32
            %add3A_117 = vector.broadcast %add3A_116 : i32 to vector<16xi32>
            %add3A_118 = arith.addi %xor3A_8, %add3A_117 : vector<16xi32>
            %select_n3A_119 = arith.select %lt3A_115, %add3A_118, %xor3A_8 : vector<16xi1>, vector<16xi32>
            %broadcast_in_dim3A_120 = vector.shape_cast %select_n3A_119 : vector<16xi32> to vector<16x1xi32>
            %gather3A_121 = vector.shape_cast %broadcast_in_dim3A_120 : vector<16x1xi32> to vector<16xi32>
            %gather3A_122 = tpu.dynamic_gather %min3A_112[%gather3A_121] in [0] : vector<16xf32>, vector<16xi32> -> vector<16xf32>
            %min3A_123 = arith.minimumf %min3A_112, %gather3A_122 : vector<16xf32>
            %lt3A_124 = arith.constant 0 : i32
            %lt3A_125 = vector.broadcast %lt3A_124 : i32 to vector<16xi32>
            %lt3A_126 = arith.cmpi slt, %xor3A_11, %lt3A_125 : vector<16xi32>
            %add3A_127 = arith.constant 16 : i32
            %add3A_128 = vector.broadcast %add3A_127 : i32 to vector<16xi32>
            %add3A_129 = arith.addi %xor3A_11, %add3A_128 : vector<16xi32>
            %select_n3A_130 = arith.select %lt3A_126, %add3A_129, %xor3A_11 : vector<16xi1>, vector<16xi32>
            %broadcast_in_dim3A_131 = vector.shape_cast %select_n3A_130 : vector<16xi32> to vector<16x1xi32>
            %gather3A_132 = vector.shape_cast %broadcast_in_dim3A_131 : vector<16x1xi32> to vector<16xi32>
            %gather3A_133 = tpu.dynamic_gather %min3A_123[%gather3A_132] in [0] : vector<16xf32>, vector<16xi32> -> vector<16xf32>
            %min3A_134 = arith.minimumf %min3A_123, %gather3A_133 : vector<16xf32>
            %lt3A_135 = arith.constant 0 : i32
            %lt3A_136 = vector.broadcast %lt3A_135 : i32 to vector<16xi32>
            %lt3A_137 = arith.cmpi slt, %xor3A_14, %lt3A_136 : vector<16xi32>
            %add3A_138 = arith.constant 16 : i32
            %add3A_139 = vector.broadcast %add3A_138 : i32 to vector<16xi32>
            %add3A_140 = arith.addi %xor3A_14, %add3A_139 : vector<16xi32>
            %select_n3A_141 = arith.select %lt3A_137, %add3A_140, %xor3A_14 : vector<16xi1>, vector<16xi32>
            %broadcast_in_dim3A_142 = vector.shape_cast %select_n3A_141 : vector<16xi32> to vector<16x1xi32>
            %gather3A_143 = vector.shape_cast %broadcast_in_dim3A_142 : vector<16x1xi32> to vector<16xi32>
            %gather3A_144 = tpu.dynamic_gather %min3A_134[%gather3A_143] in [0] : vector<16xf32>, vector<16xi32> -> vector<16xf32>
            %min3A_145 = arith.minimumf %min3A_134, %gather3A_144 : vector<16xf32>
            %eq3A_146 = arith.cmpf oeq, %select_n3A, %min3A_145 : vector<16xf32>
            %broadcast_in_dim3A_147 = vector.broadcast %scan3A_16 : i32 to vector<16xi32>
            %select_n3A_148 = arith.select %eq3A_146, %iota3A, %broadcast_in_dim3A_147 : vector<16xi1>, vector<16xi32>
            %eq3A_149 = arith.cmpf oeq, %select_n3A_90, %min3A_145 : vector<16xf32>
            %add3A_150 = arith.constant 16 : i32
            %add3A_151 = vector.broadcast %add3A_150 : i32 to vector<16xi32>
            %add3A_152 = arith.addi %iota3A, %add3A_151 : vector<16xi32>
            %broadcast_in_dim3A_153 = vector.broadcast %scan3A_16 : i32 to vector<16xi32>
            %select_n3A_154 = arith.select %eq3A_149, %add3A_152, %broadcast_in_dim3A_153 : vector<16xi1>, vector<16xi32>
            %eq3A_155 = arith.cmpf oeq, %select_n3A_95, %min3A_145 : vector<16xf32>
            %add3A_156 = arith.constant 32 : i32
            %add3A_157 = vector.broadcast %add3A_156 : i32 to vector<16xi32>
            %add3A_158 = arith.addi %iota3A, %add3A_157 : vector<16xi32>
            %broadcast_in_dim3A_159 = vector.broadcast %scan3A_16 : i32 to vector<16xi32>
            %select_n3A_160 = arith.select %eq3A_155, %add3A_158, %broadcast_in_dim3A_159 : vector<16xi1>, vector<16xi32>
            %eq3A_161 = arith.cmpf oeq, %select_n3A_100, %min3A_145 : vector<16xf32>
            %add3A_162 = arith.constant 48 : i32
            %add3A_163 = vector.broadcast %add3A_162 : i32 to vector<16xi32>
            %add3A_164 = arith.addi %iota3A, %add3A_163 : vector<16xi32>
            %broadcast_in_dim3A_165 = vector.broadcast %scan3A_16 : i32 to vector<16xi32>
            %select_n3A_166 = arith.select %eq3A_161, %add3A_164, %broadcast_in_dim3A_165 : vector<16xi1>, vector<16xi32>
            %min3A_167 = arith.minsi %select_n3A_148, %select_n3A_154 : vector<16xi32>
            %min3A_168 = arith.minsi %select_n3A_160, %select_n3A_166 : vector<16xi32>
            %min3A_169 = arith.minsi %min3A_167, %min3A_168 : vector<16xi32>
            %lt3A_170 = arith.constant 0 : i32
            %lt3A_171 = vector.broadcast %lt3A_170 : i32 to vector<16xi32>
            %lt3A_172 = arith.cmpi slt, %xor3A_5, %lt3A_171 : vector<16xi32>
            %add3A_173 = arith.constant 16 : i32
            %add3A_174 = vector.broadcast %add3A_173 : i32 to vector<16xi32>
            %add3A_175 = arith.addi %xor3A_5, %add3A_174 : vector<16xi32>
            %select_n3A_176 = arith.select %lt3A_172, %add3A_175, %xor3A_5 : vector<16xi1>, vector<16xi32>
            %broadcast_in_dim3A_177 = vector.shape_cast %select_n3A_176 : vector<16xi32> to vector<16x1xi32>
            %gather3A_178 = vector.shape_cast %broadcast_in_dim3A_177 : vector<16x1xi32> to vector<16xi32>
            %gather3A_179 = tpu.dynamic_gather %min3A_169[%gather3A_178] in [0] : vector<16xi32>, vector<16xi32> -> vector<16xi32>
            %min3A_180 = arith.minsi %min3A_169, %gather3A_179 : vector<16xi32>
            %lt3A_181 = arith.constant 0 : i32
            %lt3A_182 = vector.broadcast %lt3A_181 : i32 to vector<16xi32>
            %lt3A_183 = arith.cmpi slt, %xor3A_8, %lt3A_182 : vector<16xi32>
            %add3A_184 = arith.constant 16 : i32
            %add3A_185 = vector.broadcast %add3A_184 : i32 to vector<16xi32>
            %add3A_186 = arith.addi %xor3A_8, %add3A_185 : vector<16xi32>
            %select_n3A_187 = arith.select %lt3A_183, %add3A_186, %xor3A_8 : vector<16xi1>, vector<16xi32>
            %broadcast_in_dim3A_188 = vector.shape_cast %select_n3A_187 : vector<16xi32> to vector<16x1xi32>
            %gather3A_189 = vector.shape_cast %broadcast_in_dim3A_188 : vector<16x1xi32> to vector<16xi32>
            %gather3A_190 = tpu.dynamic_gather %min3A_180[%gather3A_189] in [0] : vector<16xi32>, vector<16xi32> -> vector<16xi32>
            %min3A_191 = arith.minsi %min3A_180, %gather3A_190 : vector<16xi32>
            %lt3A_192 = arith.constant 0 : i32
            %lt3A_193 = vector.broadcast %lt3A_192 : i32 to vector<16xi32>
            %lt3A_194 = arith.cmpi slt, %xor3A_11, %lt3A_193 : vector<16xi32>
            %add3A_195 = arith.constant 16 : i32
            %add3A_196 = vector.broadcast %add3A_195 : i32 to vector<16xi32>
            %add3A_197 = arith.addi %xor3A_11, %add3A_196 : vector<16xi32>
            %select_n3A_198 = arith.select %lt3A_194, %add3A_197, %xor3A_11 : vector<16xi1>, vector<16xi32>
            %broadcast_in_dim3A_199 = vector.shape_cast %select_n3A_198 : vector<16xi32> to vector<16x1xi32>
            %gather3A_200 = vector.shape_cast %broadcast_in_dim3A_199 : vector<16x1xi32> to vector<16xi32>
            %gather3A_201 = tpu.dynamic_gather %min3A_191[%gather3A_200] in [0] : vector<16xi32>, vector<16xi32> -> vector<16xi32>
            %min3A_202 = arith.minsi %min3A_191, %gather3A_201 : vector<16xi32>
            %lt3A_203 = arith.constant 0 : i32
            %lt3A_204 = vector.broadcast %lt3A_203 : i32 to vector<16xi32>
            %lt3A_205 = arith.cmpi slt, %xor3A_14, %lt3A_204 : vector<16xi32>
            %add3A_206 = arith.constant 16 : i32
            %add3A_207 = vector.broadcast %add3A_206 : i32 to vector<16xi32>
            %add3A_208 = arith.addi %xor3A_14, %add3A_207 : vector<16xi32>
            %select_n3A_209 = arith.select %lt3A_205, %add3A_208, %xor3A_14 : vector<16xi1>, vector<16xi32>
            %broadcast_in_dim3A_210 = vector.shape_cast %select_n3A_209 : vector<16xi32> to vector<16x1xi32>
            %gather3A_211 = vector.shape_cast %broadcast_in_dim3A_210 : vector<16x1xi32> to vector<16xi32>
            %gather3A_212 = tpu.dynamic_gather %min3A_202[%gather3A_211] in [0] : vector<16xi32>, vector<16xi32> -> vector<16xi32>
            %min3A_213 = arith.minsi %min3A_202, %gather3A_212 : vector<16xi32>
            %eq3A_214 = arith.cmpi eq, %iota3A, %min3A_213 : vector<16xi32>
            %jit3A = arith.constant 1 : i32
            %jit3A_215 = arith.constant 0 : i32
            %broadcast_in_dim3A_216 = vector.broadcast %jit3A : i32 to vector<16xi32>
            %broadcast_in_dim3A_217 = vector.broadcast %jit3A_215 : i32 to vector<16xi32>
            %select_n3A_218 = arith.select %eq3A_214, %broadcast_in_dim3A_216, %broadcast_in_dim3A_217 : vector<16xi1>, vector<16xi32>
            %add3A_219 = arith.addi %scan3A_56, %select_n3A_218 : vector<16xi32>
            %add3A_220 = arith.constant 16 : i32
            %add3A_221 = vector.broadcast %add3A_220 : i32 to vector<16xi32>
            %add3A_222 = arith.addi %iota3A, %add3A_221 : vector<16xi32>
            %eq3A_223 = arith.cmpi eq, %add3A_222, %min3A_213 : vector<16xi32>
            %jit3A_224 = arith.constant 1 : i32
            %jit3A_225 = arith.constant 0 : i32
            %broadcast_in_dim3A_226 = vector.broadcast %jit3A_224 : i32 to vector<16xi32>
            %broadcast_in_dim3A_227 = vector.broadcast %jit3A_225 : i32 to vector<16xi32>
            %select_n3A_228 = arith.select %eq3A_223, %broadcast_in_dim3A_226, %broadcast_in_dim3A_227 : vector<16xi1>, vector<16xi32>
            %add3A_229 = arith.addi %scan3A_57, %select_n3A_228 : vector<16xi32>
            %add3A_230 = arith.constant 32 : i32
            %add3A_231 = vector.broadcast %add3A_230 : i32 to vector<16xi32>
            %add3A_232 = arith.addi %iota3A, %add3A_231 : vector<16xi32>
            %eq3A_233 = arith.cmpi eq, %add3A_232, %min3A_213 : vector<16xi32>
            %jit3A_234 = arith.constant 1 : i32
            %jit3A_235 = arith.constant 0 : i32
            %broadcast_in_dim3A_236 = vector.broadcast %jit3A_234 : i32 to vector<16xi32>
            %broadcast_in_dim3A_237 = vector.broadcast %jit3A_235 : i32 to vector<16xi32>
            %select_n3A_238 = arith.select %eq3A_233, %broadcast_in_dim3A_236, %broadcast_in_dim3A_237 : vector<16xi1>, vector<16xi32>
            %add3A_239 = arith.addi %scan3A_58, %select_n3A_238 : vector<16xi32>
            %add3A_240 = arith.constant 48 : i32
            %add3A_241 = vector.broadcast %add3A_240 : i32 to vector<16xi32>
            %add3A_242 = arith.addi %iota3A, %add3A_241 : vector<16xi32>
            %eq3A_243 = arith.cmpi eq, %add3A_242, %min3A_213 : vector<16xi32>
            %jit3A_244 = arith.constant 1 : i32
            %jit3A_245 = arith.constant 0 : i32
            %broadcast_in_dim3A_246 = vector.broadcast %jit3A_244 : i32 to vector<16xi32>
            %broadcast_in_dim3A_247 = vector.broadcast %jit3A_245 : i32 to vector<16xi32>
            %select_n3A_248 = arith.select %eq3A_243, %broadcast_in_dim3A_246, %broadcast_in_dim3A_247 : vector<16xi1>, vector<16xi32>
            %add3A_249 = arith.addi %scan3A_59, %select_n3A_248 : vector<16xi32>
            %eq3A_250 = vector.broadcast %scan3A_55 : i32 to vector<16xi32>
            %eq3A_251 = arith.cmpi eq, %iota3A, %eq3A_250 : vector<16xi32>
            %select_n3A_252 = arith.select %eq3A_251, %min3A_213, %scan3A_60 : vector<16xi1>, vector<16xi32>
            scf.yield %add3A_219, %add3A_229, %add3A_239, %add3A_249, %select_n3A_252 : vector<16xi32>, vector<16xi32>, vector<16xi32>, vector<16xi32>, vector<16xi32>
          }
          %scan3A_47 = arith.constant 16 : i32
          %mul3A_48 = arith.constant 512 : i32
          %mul3A_49 = arith.muli %scan3A_23, %mul3A_48 : i32
          %mul3A_50 = arith.constant 16 : i32
          %mul3A_51 = arith.muli %scan3A_35, %mul3A_50 : i32
          %add3A = arith.addi %mul3A_49, %mul3A_51 : i32
          %swap3A = arith.index_cast %add3A : i32 to index
          %swap3A_52 = tpu.vector_load %arg5[%swap3A] {strides = array<i32>} : memref<8192xi32, #tpu.memory_space<vmem>>, vector<16xi32>,
          %swap3A_53 = vector.shape_cast %swap3A_52 : vector<16xi32> to vector<16xi32>
          %swap3A_54 = vector.shape_cast %scan3A_46#4 : vector<16xi32> to vector<16xi32>
          tpu.vector_store %arg5[%swap3A], %swap3A_54 {strides = array<i32>} : memref<8192xi32, #tpu.memory_space<vmem>>, vector<16xi32>,
          scf.yield %scan3A_46#0, %scan3A_46#1, %scan3A_46#2, %scan3A_46#3 : vector<16xi32>, vector<16xi32>, vector<16xi32>, vector<16xi32>
        }
        %scan3A_34 = arith.constant 32 : i32
        scf.yield %scan3A_33#0, %scan3A_33#1, %scan3A_33#2, %scan3A_33#3 : vector<16xi32>, vector<16xi32>, vector<16xi32>, vector<16xi32>
      }
      %scan3A_22 = arith.constant 16 : i32
      "tpu.region"() ({
        %run_scoped3A = tpu.sem_alloc : memref<!tpu.dma_semaphore, #tpu.memory_space<semaphore_mem>>
        tpu.enqueue_dma source(%arg5 : memref<8192xi32, #tpu.memory_space<vmem>>) target(%arg3 : memref<8192xi32, #tpu.memory_space<hbm>>) target_semaphore(%run_scoped3A : memref<!tpu.dma_semaphore, #tpu.memory_space<semaphore_mem>>)
        tpu.wait_dma2 semaphore(%run_scoped3A : memref<!tpu.dma_semaphore, #tpu.memory_space<semaphore_mem>>) src(%arg5 : memref<8192xi32, #tpu.memory_space<vmem>>) dst(%arg3 : memref<8192xi32, #tpu.memory_space<hbm>>)
        tpu.yield
      }) : () -> ()
    } else {
    }
    return
  }
}

module attributes {stable_mosaic.version = 14 : i64} {
  func.func @_dist_body(%arg0: i32, %arg1: memref<1024x1024xf32, #tpu.memory_space<vmem>>, %arg2: memref<1024x64xf32, #tpu.memory_space<vmem>>, %arg3: memref<1024x1xf32, #tpu.memory_space<vmem>>, %arg4: memref<8x64xf32, #tpu.memory_space<vmem>>, %arg5: memref<1024x64xf32, #tpu.memory_space<vmem>>) attributes {dimension_semantics = [#tpu.dimension_semantics<arbitrary>], iteration_bounds = array<i64: 8>, scalar_prefetch = 0 : i64, scratch_operands = 0 : i64, tpu.core_type = #tpu.core_type<tc>, window_params = [{transform_indices = @transform_0, window_bounds = array<i64: 1024, 1024>}, {pipeline_mode = #tpu.pipeline_mode<synchronous>, transform_indices = @transform_1, window_bounds = array<i64: 1024, 64>}, {transform_indices = @transform_2, window_bounds = array<i64: 1024, 1>}, {pipeline_mode = #tpu.pipeline_mode<synchronous>, transform_indices = @transform_3, window_bounds = array<i64: 8, 64>}, {transform_indices = @transform_4, window_bounds = array<i64: 1024, 64>}]} {
    %get3A = arith.constant 0 : index
    %get3A_0 = arith.constant 0 : index
    %get3A_1 = vector.load %arg1[%get3A, %get3A_0] : memref<1024x1024xf32, #tpu.memory_space<vmem>>, vector<1024x1024xf32>
    %convert_element_type3A = arith.truncf %get3A_1 : vector<1024x1024xf32> to vector<1024x1024xbf16>
    %get3A_2 = arith.constant 0 : index
    %get3A_3 = arith.constant 0 : index
    %get3A_4 = vector.load %arg2[%get3A_2, %get3A_3] : memref<1024x64xf32, #tpu.memory_space<vmem>>, vector<1024x64xf32>
    %convert_element_type3A_5 = arith.truncf %get3A_4 : vector<1024x64xf32> to vector<1024x64xbf16>
    %dot_general3A = arith.constant dense<0.000000e+00> : vector<1024x64xf32>
    %dot_general3A_6 = tpu.matmul %convert_element_type3A, %convert_element_type3A_5, %dot_general3A {dimension_numbers = #tpu.dot_dimension_numbers<[1], [0], [0], [1], [0, 0, 1, 1], [], []>, transpose_lhs_hint = false} : vector<1024x1024xbf16>, vector<1024x64xbf16>, vector<1024x64xf32> -> vector<1024x64xf32>
    %get3A_7 = arith.constant 0 : index
    %get3A_8 = arith.constant 0 : index
    %get3A_9 = vector.load %arg3[%get3A_7, %get3A_8] : memref<1024x1xf32, #tpu.memory_space<vmem>>, vector<1024x1xf32>
    %get3A_10 = arith.constant 0 : index
    %get3A_11 = arith.constant 0 : index
    %get3A_12 = vector.load %arg4[%get3A_10, %get3A_11] : memref<8x64xf32, #tpu.memory_space<vmem>>, vector<1x64xf32>
    %add3A = vector.broadcast %get3A_9 : vector<1024x1xf32> to vector<1024x64xf32>
    %add3A_13 = vector.broadcast %get3A_12 : vector<1x64xf32> to vector<1024x64xf32>
    %add3A_14 = arith.addf %add3A, %add3A_13 : vector<1024x64xf32>
    %mul3A = arith.constant 2.000000e+00 : f32
    %mul3A_15 = vector.broadcast %mul3A : f32 to vector<1024x64xf32>
    %mul3A_16 = arith.mulf %mul3A_15, %dot_general3A_6 : vector<1024x64xf32>
    %sub3A = arith.subf %add3A_14, %mul3A_16 : vector<1024x64xf32>
    %max3A = arith.constant 0.000000e+00 : f32
    %max3A_17 = vector.broadcast %max3A : f32 to vector<1024x64xf32>
    %max3A_18 = arith.maximumf %sub3A, %max3A_17 : vector<1024x64xf32>
    %add3A_19 = arith.constant 9.99999971E-10 : f32
    %add3A_20 = vector.broadcast %add3A_19 : f32 to vector<1024x64xf32>
    %add3A_21 = arith.addf %max3A_18, %add3A_20 : vector<1024x64xf32>
    %sqrt3A = math.sqrt %add3A_21 : vector<1024x64xf32>
    %swap3A = arith.constant 0 : index
    %swap3A_22 = arith.constant 0 : index
    %swap3A_23 = vector.load %arg5[%swap3A, %swap3A_22] : memref<1024x64xf32, #tpu.memory_space<vmem>>, vector<1024x64xf32>
    tpu.vector_store %arg5[%swap3A, %swap3A_22], %sqrt3A {strides = array<i32>} : memref<1024x64xf32, #tpu.memory_space<vmem>>, vector<1024x64xf32>,
    return
  }
  func.func @transform_0(%arg0: i32) -> (i32, i32) {
    %c0_i32 = arith.constant 0 : i32
    %c0_i32_0 = arith.constant 0 : i32
    return %arg0, %c0_i32 : i32, i32
  }
  func.func @transform_1(%arg0: i32) -> (i32, i32) {
    %c0_i32 = arith.constant 0 : i32
    %c0_i32_0 = arith.constant 0 : i32
    %c0_i32_1 = arith.constant 0 : i32
    return %c0_i32, %c0_i32_0 : i32, i32
  }
  func.func @transform_2(%arg0: i32) -> (i32, i32) {
    %c0_i32 = arith.constant 0 : i32
    %c0_i32_0 = arith.constant 0 : i32
    return %arg0, %c0_i32 : i32, i32
  }
  func.func @transform_3(%arg0: i32) -> (i32, i32) {
    %c0_i32 = arith.constant 0 : i32
    %c0_i32_0 = arith.constant 0 : i32
    %c0_i32_1 = arith.constant 0 : i32
    return %c0_i32, %c0_i32_0 : i32, i32
  }
  func.func @transform_4(%arg0: i32) -> (i32, i32) {
    %c0_i32 = arith.constant 0 : i32
    %c0_i32_0 = arith.constant 0 : i32
    return %arg0, %c0_i32 : i32, i32
  }
}

module attributes {stable_mosaic.version = 14 : i64} {
  func.func @_update_body(%arg0: i32, %arg1: memref<1024x1024xf32, #tpu.memory_space<vmem>>, %arg2: memref<1x1x1024xi32, #tpu.memory_space<smem>>, %arg3: memref<64x1024xf32, #tpu.memory_space<vmem>>, %arg4: memref<64x1024xf32, #tpu.memory_space<vmem>>, %arg5: memref<1xf32, #tpu.memory_space<smem>>, %arg6: memref<64x1024xf32, #tpu.memory_space<vmem>>) attributes {dimension_semantics = [#tpu.dimension_semantics<arbitrary>], iteration_bounds = array<i64: 8>, scalar_prefetch = 0 : i64, scratch_operands = 1 : i64, tpu.core_type = #tpu.core_type<tc>, window_params = [{transform_indices = @transform_0, window_bounds = array<i64: 1024, 1024>}, {transform_indices = @transform_1, window_bounds = array<i64: 1, 1, 1024>}, {pipeline_mode = #tpu.pipeline_mode<synchronous>, transform_indices = @transform_2, window_bounds = array<i64: 64, 1024>}, {pipeline_mode = #tpu.pipeline_mode<synchronous>, transform_indices = @transform_3, window_bounds = array<i64: 64, 1024>}, {transform_indices = @transform_4, window_bounds = array<i64: 1>}]} {
    %eq3A = arith.constant 0 : i32
    %eq3A_0 = arith.cmpi eq, %arg0, %eq3A : i32
    %convert_element_type3A = arith.extui %eq3A_0 : i1 to i32
    %cond3A = arith.constant 0 : i32
    %cond3A_1 = arith.cmpi ne, %convert_element_type3A, %cond3A : i32
    scf.if %cond3A_1 {
      %broadcast_in_dim3A = arith.constant 0.000000e+00 : f32
      %broadcast_in_dim3A_11 = vector.broadcast %broadcast_in_dim3A : f32 to vector<64x1024xf32>
      %swap3A = arith.constant 0 : index
      %swap3A_12 = arith.constant 0 : index
      %swap3A_13 = vector.load %arg6[%swap3A, %swap3A_12] : memref<64x1024xf32, #tpu.memory_space<vmem>>, vector<64x1024xf32>
      tpu.vector_store %arg6[%swap3A, %swap3A_12], %broadcast_in_dim3A_11 {strides = array<i32>} : memref<64x1024xf32, #tpu.memory_space<vmem>>, vector<64x1024xf32>,
    } else {
    }
    %scan3A = arith.constant 0 : i32
    %scan3A_2 = arith.constant 1024 : i32
    %scan3A_3 = arith.addi %scan3A, %scan3A_2 : i32
    %scan3A_4 = arith.constant 1 : i32
    scf.for %scan3A_11 = %scan3A to %scan3A_3 step %scan3A_4  : i32 {
      %get3A = arith.constant 0 : index
      %get3A_12 = arith.constant 0 : index
      %get3A_13 = arith.index_cast %scan3A_11 : i32 to index
      %get3A_14 = memref.load %arg2[%get3A, %get3A_12, %get3A_13] : memref<1x1x1024xi32, #tpu.memory_space<smem>>
      %get3A_15 = arith.index_cast %get3A_14 : i32 to index
      %get3A_16 = arith.constant 0 : index
      %get3A_17 = vector.load %arg6[%get3A_15, %get3A_16] : memref<64x1024xf32, #tpu.memory_space<vmem>>, vector<1x1024xf32>
      %get3A_18 = arith.index_cast %scan3A_11 : i32 to index
      %get3A_19 = arith.constant 0 : index
      %get3A_20 = vector.load %arg1[%get3A_18, %get3A_19] : memref<1024x1024xf32, #tpu.memory_space<vmem>>, vector<1x1024xf32>
      %add3A = arith.addf %get3A_17, %get3A_20 : vector<1x1024xf32>
      %swap3A = arith.index_cast %get3A_14 : i32 to index
      %swap3A_21 = arith.constant 0 : index
      %swap3A_22 = vector.load %arg6[%swap3A, %swap3A_21] : memref<64x1024xf32, #tpu.memory_space<vmem>>, vector<1x1024xf32>
      tpu.vector_store %arg6[%swap3A, %swap3A_21], %add3A {strides = array<i32>} : memref<64x1024xf32, #tpu.memory_space<vmem>>, vector<1x1024xf32>,
    }
    %scan3A_5 = arith.constant 1024 : i32
    %eq3A_6 = arith.constant 7 : i32
    %eq3A_7 = arith.cmpi eq, %arg0, %eq3A_6 : i32
    %convert_element_type3A_8 = arith.extui %eq3A_7 : i1 to i32
    %cond3A_9 = arith.constant 0 : i32
    %cond3A_10 = arith.cmpi ne, %convert_element_type3A_8, %cond3A_9 : i32
    scf.if %cond3A_10 {
      %get3A = arith.constant 0 : index
      %get3A_11 = arith.constant 0 : index
      %get3A_12 = vector.load %arg6[%get3A, %get3A_11] : memref<64x1024xf32, #tpu.memory_space<vmem>>, vector<64x1024xf32>
      %div3A = arith.constant 1.280000e+02 : f32
      %div3A_13 = vector.broadcast %div3A : f32 to vector<64x1024xf32>
      %div3A_14 = arith.divf %get3A_12, %div3A_13 : vector<64x1024xf32>
      %swap3A = arith.constant 0 : index
      %swap3A_15 = arith.constant 0 : index
      %swap3A_16 = vector.load %arg4[%swap3A, %swap3A_15] : memref<64x1024xf32, #tpu.memory_space<vmem>>, vector<64x1024xf32>
      tpu.vector_store %arg4[%swap3A, %swap3A_15], %div3A_14 {strides = array<i32>} : memref<64x1024xf32, #tpu.memory_space<vmem>>, vector<64x1024xf32>,
      %get3A_17 = arith.constant 0 : index
      %get3A_18 = arith.constant 0 : index
      %get3A_19 = vector.load %arg3[%get3A_17, %get3A_18] : memref<64x1024xf32, #tpu.memory_space<vmem>>, vector<64x1024xf32>
      %sub3A = arith.subf %div3A_14, %get3A_19 : vector<64x1024xf32>
      %mul3A = arith.mulf %sub3A, %sub3A : vector<64x1024xf32>
      %reduce_sum3A = vector.shape_cast %mul3A : vector<64x1024xf32> to vector<1x64x1024xf32>
      %reduce_sum3A_20 = arith.constant dense<0.000000e+00> : vector<1xf32>
      %reduce_sum3A_21 = vector.multi_reduction <add>, %reduce_sum3A, %reduce_sum3A_20 [1, 2] : vector<1x64x1024xf32> to vector<1xf32>
      %reduce_sum3A_22 = vector.shape_cast %reduce_sum3A_21 : vector<1xf32> to vector<1x1x1xf32>
      %reduce_sum3A_23 = vector.extract %reduce_sum3A_22[0, 0, 0] : f32 from vector<1x1x1xf32>
      %swap3A_24 = arith.constant 0 : index
      %swap3A_25 = memref.load %arg5[%swap3A_24] : memref<1xf32, #tpu.memory_space<smem>>
      memref.store %reduce_sum3A_23, %arg5[%swap3A_24] : memref<1xf32, #tpu.memory_space<smem>>
    } else {
    }
    return
  }
  func.func @transform_0(%arg0: i32) -> (i32, i32) {
    %c0_i32 = arith.constant 0 : i32
    %c0_i32_0 = arith.constant 0 : i32
    return %arg0, %c0_i32 : i32, i32
  }
  func.func @transform_1(%arg0: i32) -> (i32, i32, i32) {
    %c0_i32 = arith.constant 0 : i32
    %c0_i32_0 = arith.constant 0 : i32
    %c0_i32_1 = arith.constant 0 : i32
    return %arg0, %c0_i32, %c0_i32_0 : i32, i32, i32
  }
  func.func @transform_2(%arg0: i32) -> (i32, i32) {
    %c0_i32 = arith.constant 0 : i32
    %c0_i32_0 = arith.constant 0 : i32
    %c0_i32_1 = arith.constant 0 : i32
    return %c0_i32, %c0_i32_0 : i32, i32
  }
  func.func @transform_3(%arg0: i32) -> (i32, i32) {
    %c0_i32 = arith.constant 0 : i32
    %c0_i32_0 = arith.constant 0 : i32
    %c0_i32_1 = arith.constant 0 : i32
    return %c0_i32, %c0_i32_0 : i32, i32
  }
  func.func @transform_4(%arg0: i32) -> i32 {
    %c0_i32 = arith.constant 0 : i32
    %c0_i32_0 = arith.constant 0 : i32
    return %c0_i32 : i32
  }
}

</mosaic_0001>

<sc_bundles>
// kernel: kernel.11.cloned.1.call-start
scs
__scs_entry_jumppad:
0x0: {  	(pc) =	sbr.rel $0x88, $3  }
0x1: {  	(tag) =	ssettag $0x0;
	lr =	simm.s32 $0x1  }
0x2: {  	[smem:$0x3FA0] =	sst lr;
	_ =	strace $0xD0000000  }
0x3: {  	_ = 	snop  }
0x4: {  	_ = 	snop  }
0x5: {  	_ = 	snop  }
0x6: {  	_ = 	snop  }
0x7: {  	_ = 	snop  }
__scs_overlays_trampoline_lowered:
0x8: {  	[smem:$0x3FAF] =	sst s0  }
0x9: {  	[smem:$0x3FB0] =	sst s1  }
0xa: {  	[smem:$0x3FB1] =	sst s2  }
0xb: {  	[smem:$0x3FB2] =	sst s3  }
0xc: {  	[smem:$0x3FB3] =	sst s4  }
0xd: {  	[smem:$0x3FB4] =	sst s5  }
0xe: {  	[smem:$0x3FB5] =	sst s6  }
0xf: {  	[smem:$0x3FB6] =	sst s7  }
0x10: {  	[smem:$0x3FB7] =	sst s8  }
0x11: {  	[smem:$0x3FB8] =	sst s9;
	s0 =	simm.s32 @!p0 $0x0  }
0x12: {  	s1 =	sld [smem:$0x3F9E];
	s0 =	simm.s32 @p0 $0x1  }
0x13: {  	[smem:$0x3FB9] =	sst s0;
	s0 =	simm.s32 @!p1 $0x0  }
0x14: {  	s2 =	sld [smem:$0x3F9D];
	s0 =	simm.s32 @p1 $0x1  }
0x15: {  	[smem:$0x3FBA] =	sst s0;
	s0 =	simm.s32 @!p2 $0x0  }
0x16: {  	s3 =	sld [smem:$0x3FDB];
	s0 =	simm.s32 @p2 $0x1  }
0x17: {  	s4 =	simm.s32 $0x1BF5;
	[smem:$0x3FBC] =	sst s0  }
0x18: {  	s0 =	sld [smem:$0x3F9F];
	_ =	swait.ge [sflag:s4], $0x0  }
0x19: {  	s7 =	sld [smem:$0x3FA0]  }
0x1a: {  	s8 =	sadd.s32 $0xFFFFE003, lr  }
0x1b: {  	s9 =	sadd.s32 $0xFFFFFEF7, lr;
	s5 =	simm.s32 $0xFFFFFFFF;
	p2 =	slt.u32 s8, $0xFFFFF086  }
0x1c: {  	p1 =	slt.u32 s9, $0xF7A;
	s5 =	simm.s32 @!p2 $0x0  }
0x1d: {  	s5 =	simm.s32 @p1 $0x1;
	p0 =	seq.s32 s7, s2  }
0x1e: {  	s7 =	smul.u32 @!p0 $0xF7A, s2;
	p2 =	seq.s32 @!p0 s5, $0x0  }
0x1f: {  	s9 =	smul.u32 $0xF7A, s1;
	s8 =	simm.s32 @!p0 $0x1BF5;
	p2 =	por !p2, p0  }
0x20: {  	[sflag:s8] =	ssyncset.s32 @!p0 $0xFFFFF086;
	s6 =	sadd.s32 @!p0 s3, s7;
	s7 =	simm.s32 @!p0 $0x108  }
0x21: {  	s3 =	sadd.s32 s3, s9;
	s6 =	sadd.s32 @!p0 $0x88, s6;
	s7 =	simm.s32 @p2 $0x1082  }
0x22: {  	[simem:s7], [sflag:s8] =	dma.local @!p0 [hbm:s6], $0xF7A  }
0x23: {  	s9 =	sor.u32 $0xD0000000, s2;
	s6 =	simm.s32 $0x108;
	_ =	swait.ge @!p0 [sflag:s8], $0x0  }
0x24: {  	s3 =	sadd.s32 $0x88, s3;
	s6 =	simm.s32 @!p1 $0x1082;
	[sflag:s4] =	ssyncset.s32 $0xFFFFF086  }
0x25: {  	[simem:s6], [sflag:s4] =	dma.local [hbm:s3], $0xF7A  }
0x26: {  	[smem:$0x3FA0] =	sst s1;
	(tag) =	ssettag s2;
	_ =	strace s9  }
0x27: {  	s1 =	sld [smem:$0x3FB0]  }
0x28: {  	s2 =	sld [smem:$0x3FB1]  }
0x29: {  	s4 =	sld [smem:$0x3FB3]  }
0x2a: {  	p0 =	seq.s32 s5, $0x0;
	s5 =	sld [smem:$0x3FB4]  }
0x2b: {  	s6 =	sld [smem:$0x3FB5]  }
0x2c: {  	s7 =	sld [smem:$0x3FB6]  }
0x2d: {  	s3 =	simm.s32 $0x108;
	s8 =	sld [smem:$0x3FB7]  }
0x2e: {  	s3 =	simm.s32 @!p0 $0x1082;
	s9 =	sld [smem:$0x3FB8]  }
0x2f: {  	lr =	sadd.s32 s0, s3;
	s0 =	sld [smem:$0x3FAF]  }
0x30: {  	s3 =	sld [smem:$0x3FB2]  }
0x31: {  	[smem:$0x3FBB] =	sst s10  }
0x32: {  	s10 =	sld [smem:$0x3FB9];
	_ =	sdelay $0x3  }
0x33: {  	p0 =	seq.s32 s10, $0x1;
	s10 =	sld [smem:$0x3FBB];
	_ =	sdelay $0x3  }
0x34: {  	[smem:$0x3FBB] =	sst s10  }
0x35: {  	s10 =	sld [smem:$0x3FBA];
	_ =	sdelay $0x3  }
0x36: {  	p1 =	seq.s32 s10, $0x1;
	s10 =	sld [smem:$0x3FBB];
	_ =	sdelay $0x3  }
0x37: {  	[smem:$0x3FBB] =	sst s10  }
0x38: {  	s10 =	sld [smem:$0x3FBC]  }
0x39: {  	_ = 	snop;
	(pc) =	sbr.ind lr, $3  }
0x3a: {  	_ = 	snop  }
0x3b: {  	_ = 	snop  }
0x3c: {  	p2 =	seq.s32 s10, $0x1;
	s10 =	sld [smem:$0x3FBB]  }
0x3d: {  	_ =	shalt  }
0x3e: {  	_ =	shalt  }
0x3f: {  	_ =	shalt  }
0x40: {  	_ =	shalt  }
0x41: {  	_ =	shalt  }
0x42: {  	_ =	shalt  }
0x43: {  	_ =	shalt  }
0x44: {  	_ =	shalt  }
0x45: {  	_ =	shalt  }
0x46: {  	_ =	shalt  }
0x47: {  	_ =	shalt  }
0x48: {  	_ =	shalt  }
0x49: {  	_ =	shalt  }
0x4a: {  	_ =	shalt  }
0x4b: {  	_ =	shalt  }
0x4c: {  	_ =	shalt  }
0x4d: {  	_ =	shalt  }
0x4e: {  	_ =	shalt  }
0x4f: {  	_ =	shalt  }
0x50: {  	_ =	shalt  }
0x51: {  	_ =	shalt  }
0x52: {  	_ =	shalt  }
0x53: {  	_ =	shalt  }
0x54: {  	_ =	shalt  }
0x55: {  	_ =	shalt  }
0x56: {  	_ =	shalt  }
0x57: {  	_ =	shalt  }
0x58: {  	_ =	shalt  }
0x59: {  	_ =	shalt  }
0x5a: {  	_ =	shalt  }
0x5b: {  	_ =	shalt  }
0x5c: {  	_ =	shalt  }
0x5d: {  	_ =	shalt  }
0x5e: {  	_ =	shalt  }
0x5f: {  	_ =	shalt  }
0x60: {  	_ =	shalt  }
0x61: {  	_ =	shalt  }
0x62: {  	_ =	shalt  }
0x63: {  	_ =	shalt  }
0x64: {  	_ =	shalt  }
0x65: {  	_ =	shalt  }
0x66: {  	_ =	shalt  }
0x67: {  	_ =	shalt  }
0x68: {  	_ =	shalt  }
0x69: {  	_ =	shalt  }
0x6a: {  	_ =	shalt  }
0x6b: {  	_ =	shalt  }
0x6c: {  	_ =	shalt  }
0x6d: {  	_ =	shalt  }
0x6e: {  	_ =	shalt  }
0x6f: {  	_ =	shalt  }
0x70: {  	_ =	shalt  }
0x71: {  	_ =	shalt  }
0x72: {  	_ =	shalt  }
0x73: {  	_ =	shalt  }
0x74: {  	_ =	shalt  }
0x75: {  	_ =	shalt  }
0x76: {  	_ =	shalt  }
0x77: {  	_ =	shalt  }
0x78: {  	_ =	shalt  }
0x79: {  	_ =	shalt  }
0x7a: {  	_ =	shalt  }
0x7b: {  	_ =	shalt  }
0x7c: {  	_ =	shalt  }
0x7d: {  	_ =	shalt  }
0x7e: {  	_ =	shalt  }
0x7f: {  	_ =	shalt  }
0x80: {  	_ =	shalt  }
0x81: {  	_ =	shalt  }
0x82: {  	_ =	shalt  }
0x83: {  	_ =	shalt  }
0x84: {  	_ =	shalt  }
0x85: {  	_ =	shalt  }
0x86: {  	_ =	shalt  }
0x87: {  	_ =	shalt  }
.Lfunc_end0:
.L_simem_size_0:
called_computation_lowered:
.L_overlay_start_0:
0x88: {  	s2 =	sld [smem:$0x3FD9]  }
0x89: {  	s3 =	sld [smem:$0x3FFE];
	_ =	sdelay $0x1  }
0x8a: {  	s1 =	srdreg.scid  }
0x8b: {  	s0 =	sand.u32 $0x1, s1  }
0x8c: {  	s14 =	sshll.u32 s0, $0xA;
	s2 =	sadd.s32 s3, s2  }
0x8d: {  	s2 =	sadd.s32 s2, s14  }
0x8e: {  	[smem:$0x3FC7] =	sst s2  }
0x8f: {  	_ = 	snop  }
0x90: {  	s2 =	sld [smem:$0x3FD0];
	_ =	sdelay $0x2  }
0x91: {  	s15 =	simm.s32 $0xA;
	s4 =	simm.s32 $0x10  }
0x92: {  	[smem:s4], [sflag:s15] =	dma.local [hbm:s2], $0x1  }
0x93: {  	_ =	swait.eq [sflag:s15], $0x1  }
0x94: {  	[sflag:s15] =	ssyncset.done $0x0  }
0x95: {  	[sflag:s15] =	ssyncadd.s32 $0xFFFFFFFF  }
0x96: {  	s16 =	sld [smem:$0x11];
	(tm) =	ssettm $0x1  }
0x97: {  	s17 =	sld [smem:$0x3FFB];
	_ =	sdelay $0x3  }
0x98: {  	_ =	strace s17  }
0x99: {  	s3 =	sld [smem:$0x3FFC];
	_ =	sdelay $0x3  }
0x9a: {  	_ =	strace s3  }
0x9b: {  	s3 =	sld [smem:$0x3FFD];
	_ =	sdelay $0x3  }
0x9c: {  	_ =	strace s3  }
0x9d: {  	_ =	strace $0x8FFFFFFF  }
0x9e: {  	s18 =	sld [smem:$0x3FDB];
	_ =	sdelay $0x1  }
0x9f: {  	s19 =	simm.s32 $_scs_section_size  }
0xa0: {  	s5 =	simm.s32 $_size__tile_overlayer_lowered;
	s6 =	simm.s32 $_tile_overlayer_lowered  }
0xa1: {  	s22 =	simm.s32 $0x1BFF;
	s21 =	sshll.u32 s6, $0x1;
	s3 =	sadd.s32 s19, s18  }
0xa2: {  	s7 =	simm.s32 $0x0;
	s20 =	sshll.u32 s5, $0x1;
	s5 =	sadd.s32 s21, s3  }
0xa3: {  	[timem:s7], [sflag:s22] =	dma.local [hbm:s5], s20  }
0xa4: {  	_ =	swait.ge [sflag:s22], s20  }
0xa5: {  	s4 =	ssub.s32 $0x0, s20;
	[sflag:s22] =	ssyncset.done $0x0  }
0xa6: {  	[sflag:s22] =	ssyncadd.s32 s4;
	_ =	sdelay $0x1  }
0xa7: {  	s23 =	simm.s32 $0x1B8B  }
0xa8: {  	_ =	swait.ge [sflag:s23], $0x1  }
0xa9: {  	[sflag:s23] =	ssyncset.done $0x0  }
0xaa: {  	s25 =	simm.s32 $0x1B8E;
	s24 =	sld [smem:$0x3FFE];
	[sflag:s23] =	ssyncadd.s32 $0xFFFFFFFF  }
0xab: {  	s26 =	simm.s32 $execute0_lowered;
	[smem:$0x3FD2] =	sst s25  }
0xac: {  	s5 =	sshll.u32 s26, $0x1;
	_ =	strace $0x80000046;
	[dreg:$0x1] =	wrdreg $0xFFFFFFFF  }
0xad: {  	s28 =	simm.s32 $_size_execute0_lowered;
	s3 =	sadd.s32 s3, s5;
	[dreg:$0x0] =	wrdreg $0x0  }
0xae: {  	s5 =	sshll.u32 s28, $0x1;
	[dreg:$0x2] =	wrdreg s3  }
0xaf: {  	[dreg:$0x3] =	wrdreg s5  }
0xb0: {  	[dreg:$0x4] =	wrdreg $0xC0  }
0xb1: {  	_ =	task [dreg:s7], $0x5FFFF  }
0xb2: {  	[dreg:$0x1] =	wrdreg $0xFFFFFFFF  }
0xb3: {  	[dreg:$0x0] =	wrdreg $0x60  }
0xb4: {  	[dreg:$0x2] =	wrdreg s24  }
0xb5: {  	[dreg:$0x3] =	wrdreg s16  }
0xb6: {  	[dreg:$0x4] =	wrdreg $0x9  }
0xb7: {  	_ =	task.clear_ibuf [dreg:s7], $0x5FFFF;
	_ =	strace $0x90000046  }
0xb8: {  	s29 =	simm.s32 $0x9;
	_ =	strace $0x80000048  }
0xb9: {  	_ =	swait.ge [sflag:s29], $0x1  }
0xba: {  	[sflag:s29] =	ssyncadd.s32 $0xFFFFFFFF  }
0xbb: {  	_ =	strace $0x90000048  }
0xbc: {  	_ =	sfence  }
0xbd: {  	s30 =	sld [smem:$0x0];
	_ =	sdelay $0x2  }
0xbe: {  	s31 =	sshll.u32 s1, $0xD;
	s1 =	sshrl.u32 s1, $0x2  }
0xbf: {  	s3 =	sand.u32 $0x4000, s31;
	s1 =	sadd.s32 s1, s30  }
0xc0: {  	s0 =	sor.u32 s3, s0;
	s1 =	sshll.u32 s1, $0x11  }
0xc1: {  	s0 =	sor.u32 s1, s0  }
0xc2: {  	s0 =	sadd.s32 $0x8F2B, s0  }
0xc3: {  	[sflag:s0] =	ssyncadd.remote.s32 $0x1  }
0xc4: {  	_ =	sfence.sel $0xFFFF  }
0xc5: {  	[dreg:$0x0] =	wrdreg $0xFFFFFFFF;
	(pc) =	sbr.abs _section_cstart, $3  }
0xc6: {  	[dreg:$0x1] =	wrdreg $0xFFFFFFFF  }
0xc7: {  	_ =	task.clear_ibuf [dreg:s7], $0x2FFFF;
	_ =	strace $0x9FFFFFFF  }
0xc8: {  	(tm) =	ssettm $0x7FFFFFFF  }
0xc9: {  	_ =	shalt  }
tec
execute0_lowered:
.L_overlay_start_1:
0x0: {  	(tag) =	ssettag $0x1  }
0x1: {  	s0 =	srdreg.scid  }
0x2: {  	s1 =	stileid.u32;
	s5 =	sand.u32 $0x1, s0  }
0x3: {  	s6 =	sor.u32 s1, s5  }
0x4: {  	p0 =	sne.s32 s6, $0x0  }
.Ltmp0:
0x5: {  	_ = 	snop;
	(pc) =	sbr.rel @p0 .LBB2_9-.Ltmp0, $4  }
0x6: {  	s2 =	rddreg [dreg:$0x0]  }
0x7: {  	s3 =	rddreg [dreg:$0x1];
	s4 =	simm.s32 $0x0  }
0x8: {  	[smem:$0x7FF] =	sst s4  }
0x9: {  	s0 =	rddreg [dreg:$0x2];
	_ =	strace $0x80000047  }
0xa: {  	v0 =	vimm.s32 $0xFEDCBA98;
	v1 =	vimm.s32 $0x76543210  }
0xb: {  	v2 =	vimm.s32 $0xBA98FEDC;
	v3 =	vimm.s32 $0x32107654;
	v4 =	vimm.s32 $0xDCFE98BA  }
0xc: {  	v5 =	vimm.s32 $0x54761032;
	v6 =	vimm.s32 $0xEFCDAB89;
	v7 =	vimm.s32 $0x67452301  }
0xd: {  	v0 =	vunpack.c.l.s4.s8 v0;
	v1 =	vunpack.c.l.s4.s8 v1;
	v2 =	vunpack.c.l.s4.s8 v2  }
0xe: {  	v3 =	vunpack.c.l.s4.s8 v3;
	v4 =	vunpack.c.l.s4.s8 v4;
	v5 =	vunpack.c.l.s4.s8 v5  }
0xf: {  	v6 =	vunpack.c.l.s4.s8 v6;
	v7 =	vunpack.c.l.s4.s8 v7;
	v0 =	vunpack.c.0.s8.s32 v0  }
0x10: {  	v2 =	vunpack.c.0.s8.s32 v2;
	v3 =	vunpack.c.0.s8.s32 v3;
	v4 =	vunpack.c.0.s8.s32 v4  }
0x11: {  	v5 =	vunpack.c.0.s8.s32 v5;
	v6 =	vunpack.c.0.s8.s32 v6;
	v7 =	vunpack.c.0.s8.s32 v7  }
0x12: {  	v1 =	vunpack.c.0.s8.s32 v1;
	v2 =	vcombine.low v3, v2  }
0x13: {  	v0 =	vand.u32 $0xF, v0;
	v3 =	vcombine.low v5, v4;
	v4 =	vcombine.low v7, v6  }
0x14: {  	s5 =	ssub.s32 $0x2, s5;
	v8 =	vimm.s32 $0x0;
	v0 =	vcombine.low v0, v1;
	v1 =	vand.u32 $0xF, v2  }
0x15: {  	s7 =	simm.s32 $0x8000;
	s8 =	simm.s32 $0x0;
	s6 =	sshrl.u32 s5, $0x1;
	v2 =	vlaneseq.u32;
	v3 =	vand.u32 $0xF, v3;
	v4 =	vand.u32 $0xF, v4  }
0x16: {  	s9 =	simm.s32 $0x0;
	s5 =	ssub.s32 s5, s6;
	s6 =	simm.s32 $0x1;
	v5 =	vor.u32 $0x30, v2;
	v6 =	vor.u32 $0x20, v2;
	v7 =	vor.u32 $0x10, v2  }
.LBB2_2:
0x17: {  	v9 =	vimm.s32 $0x0  }
0x18: {  	v10 =	vimm.s32 $0x0;
	v12 =	vimm.s32 $0x0;
	v11 =	vimm.s32 $0x0;
	s10 =	simm.s32 $0x0  }
.LBB2_3:
0x19: {  	s11 =	sshll.u32 s10, $0xC  }
0x1a: {  	s11 =	sadd.s32 s2, s11  }
0x1b: {  	[tilespmem:s9], [sflag:$0x1] =	stream.linear.gather [hbm4b:s11+s9], $0x8000, $0x38;
	[tilespmem:$0xA000] =	vst v63  }
0x1c: {  	s31 =	sshll.u32 s10, $0x9;
	_ =	swait.ge [sflag:s6], $0x8000  }
0x1d: {  	s11 =	sand.u32 $0x3FFFFE00, s31;
	[sflag:s6] =	ssyncset.done $0x0  }
0x1e: {  	s12 =	simm.s32 $0x0;
	s11 =	sadd.s32 $0x8000, s11;
	[sflag:s6] =	ssyncadd.s32 $0xFFFF8000  }
.LBB2_4:
0x1f: {  	s14 =	sshll.u32 s12, $0xA;
	s13 =	simm.s32 $0x0  }
0x20: {  	s15 =	sand.u32 $0x3FFFFC00, s14;
	s30 =	sand.u32 $0x380, s13  }
0x21: {  	s16 =	sand.u32 $0x40, s13;
	s14 =	sadd.s32 s30, s15  }
0x22: {  	s14 =	sadd.s32 s16, s14  }
0x23: {  	v13 =	vld [tilespmem:s14+$0x30]  }
0x24: {  	v14 =	vld [tilespmem:s14+$0x0]  }
0x25: {  	v15 =	vld [tilespmem:s14+$0x20]  }
0x26: {  	v16 =	vld [tilespmem:s14+$0x10];
	_ =	sdelay $0x2  }
0x27: {  	vm0 =	vlt.s32 v11, $0x80;
	vm1 =	vlt.s32 v12, $0x80  }
0x28: {  	vm2 =	vlt.s32 v9, $0x80;
	vm11 =	vlt.s32 v10, $0x80;
	v14 =	vnsel vm0, $0x7F61B1E6, v14  }
0x29: {  	v16 =	vnsel vm1, $0x7F61B1E6, v16;
	v15 =	vnsel vm11, $0x7F61B1E6, v15;
	v13 =	vnsel vm2, $0x7F61B1E6, v13  }
0x2a: {  	v17 =	vmin.f32 v14, v16;
	v18 =	vmin.f32 v15, v13  }
0x2b: {  	v17 =	vmin.f32 v17, v18  }
0x2c: {  	v18 =	vperm.xlane v17, v0;
	_ =	sdelay $0x1  }
0x2d: {  	v17 =	vmin.f32 v17, v18  }
0x2e: {  	v18 =	vperm.xlane v17, v1;
	_ =	sdelay $0x1  }
0x2f: {  	v17 =	vmin.f32 v17, v18  }
0x30: {  	v18 =	vperm.xlane v17, v3;
	_ =	sdelay $0x1  }
0x31: {  	v17 =	vmin.f32 v17, v18  }
0x32: {  	v18 =	vperm.xlane v17, v4;
	_ =	sdelay $0x1  }
0x33: {  	v17 =	vmin.f32 v17, v18  }
0x34: {  	s16 =	simm.s32 $0x40;
	vm12 =	veq.f32 v13, v17  }
0x35: {  	s31 =	sand.u32 $0x380, s16;
	vm13 =	veq.f32 v15, v17;
	v13 =	vnsel vm12, $0x100000, v5  }
0x36: {  	s17 =	sand.u32 $0x40, s16;
	s14 =	sadd.s32 s31, s15;
	vm14 =	veq.f32 v16, v17;
	v13 =	vsel vm13, v6, v13  }
0x37: {  	s18 =	sadd.s32 s17, s14;
	vm15 =	veq.f32 v14, v17;
	v15 =	vsel vm14, v7, v13  }
0x38: {  	s14 =	simm.s32 $0x1;
	s17 =	simm.s32 $0x2;
	v14 =	vld [tilespmem:s18+$0x30];
	v13 =	vimm.s32 $0x0;
	v15 =	vsel vm15, v2, v15  }
.LBB2_5:
0x39: {  	p0 =	sne.s32 s17, $0xF;
	v16 =	vld [tilespmem:s18+$0x0];
	v17 =	vperm.xlane v15, v0;
	s19 =	smov.u32 s17;
	s17 =	sadd.s32 $0x1, s17  }
0x3a: {  	v19 =	vmov s13;
	s13 =	smov.u32 s14;
	v18 =	vld [tilespmem:s18+$0x20];
	s14 =	smov.u32 s19  }
0x3b: {  	v20 =	vld [tilespmem:s18+$0x10];
	vm0 =	vlt.s32 v15, v17  }
0x3c: {  	v15 =	vsel vm0, v15, v17;
	vm0 =	veq.s32 v19, v2  }
0x3d: {  	v17 =	vperm.xlane v15, v1;
	_ =	sdelay $0x1  }
0x3e: {  	vm1 =	vlt.s32 v15, v17  }
0x3f: {  	v15 =	vsel vm1, v15, v17  }
0x40: {  	v17 =	vperm.xlane v15, v3;
	_ =	sdelay $0x1  }
0x41: {  	vm1 =	vlt.s32 v15, v17  }
0x42: {  	v15 =	vsel vm1, v15, v17  }
0x43: {  	v17 =	vperm.xlane v15, v4;
	_ =	sdelay $0x1  }
0x44: {  	vm1 =	vlt.s32 v15, v17  }
0x45: {  	v15 =	vsel vm1, v15, v17  }
0x46: {  	vm1 =	veq.s32 v15, v2;
	vm2 =	veq.s32 v15, v7;
	vm3 =	veq.s32 v15, v5  }
0x47: {  	v17 =	vsel vm1, $0x1, v8;
	v19 =	vsel vm2, $0x1, v8;
	v21 =	vsel vm3, $0x1, v8  }
0x48: {  	vm1 =	veq.s32 v15, v6;
	v11 =	vadd.s32 v17, v11;
	v12 =	vadd.s32 v19, v12  }
0x49: {  	v17 =	vsel vm1, $0x1, v8;
	v9 =	vadd.s32 v21, v9;
	vm2 =	vlt.s32 v11, $0x80  }
0x4a: {  	vm1 =	vlt.s32 v12, $0x80;
	vm3 =	vlt.s32 v9, $0x80;
	v10 =	vadd.s32 v17, v10  }
0x4b: {  	v13 =	vsel vm0, v15, v13;
	v16 =	vnsel vm2, $0x7F61B1E6, v16;
	vm2 =	vlt.s32 v10, $0x80  }
0x4c: {  	v15 =	vnsel vm1, $0x7F61B1E6, v20;
	v14 =	vnsel vm3, $0x7F61B1E6, v14;
	v17 =	vnsel vm2, $0x7F61B1E6, v18  }
0x4d: {  	v18 =	vmin.f32 v16, v15;
	v19 =	vmin.f32 v17, v14  }
0x4e: {  	v18 =	vmin.f32 v18, v19  }
0x4f: {  	v19 =	vperm.xlane v18, v0;
	_ =	sdelay $0x1  }
0x50: {  	v18 =	vmin.f32 v18, v19  }
0x51: {  	v19 =	vperm.xlane v18, v1;
	_ =	sdelay $0x1  }
0x52: {  	v18 =	vmin.f32 v18, v19  }
0x53: {  	v19 =	vperm.xlane v18, v3;
	_ =	sdelay $0x1  }
0x54: {  	v18 =	vmin.f32 v18, v19  }
0x55: {  	v19 =	vperm.xlane v18, v4;
	_ =	sdelay $0x1  }
0x56: {  	v18 =	vmin.f32 v18, v19  }
.Ltmp1:
0x57: {  	s16 =	sadd.s32 $0x40, s16;
	vm0 =	veq.f32 v15, v18;
	vm1 =	veq.f32 v17, v18;
	vm2 =	veq.f32 v14, v18;
	(pc) =	sbr.rel @p0 .LBB2_5-.Ltmp1, $4  }
0x58: {  	s18 =	sand.u32 $0x380, s16;
	vm3 =	veq.f32 v16, v18;
	v14 =	vnsel vm2, $0x100000, v5  }
0x59: {  	s19 =	sand.u32 $0x40, s16;
	s18 =	sadd.s32 s18, s15;
	v14 =	vsel vm1, v6, v14  }
0x5a: {  	s18 =	sadd.s32 s19, s18;
	v15 =	vsel vm0, v7, v14  }
0x5b: {  	v15 =	vsel vm3, v2, v15;
	v14 =	vld [tilespmem:s18+$0x30]  }
0x5c: {  	v16 =	vperm.xlane v15, v0;
	_ =	sdelay $0x1  }
0x5d: {  	vm0 =	vlt.s32 v15, v16  }
0x5e: {  	v15 =	vsel vm0, v15, v16  }
0x5f: {  	v16 =	vperm.xlane v15, v1;
	_ =	sdelay $0x1  }
0x60: {  	vm0 =	vlt.s32 v15, v16  }
0x61: {  	v15 =	vsel vm0, v15, v16  }
0x62: {  	v16 =	vperm.xlane v15, v3;
	_ =	sdelay $0x1  }
0x63: {  	vm0 =	vlt.s32 v15, v16  }
0x64: {  	v15 =	vsel vm0, v15, v16  }
0x65: {  	v16 =	vperm.xlane v15, v4;
	_ =	sdelay $0x1  }
0x66: {  	vm0 =	vlt.s32 v15, v16  }
0x67: {  	v17 =	vld [tilespmem:s18+$0x0];
	v15 =	vsel vm0, v15, v16  }
0x68: {  	v55 =	vld [tilespmem:s18+$0x20];
	vm0 =	veq.s32 v15, v2;
	vm1 =	veq.s32 v15, v7  }
0x69: {  	v18 =	vld [tilespmem:s18+$0x10];
	vm2 =	veq.s32 v15, v5;
	vm14 =	veq.s32 v15, v6;
	v19 =	vsel vm0, $0x1, v8  }
0x6a: {  	v20 =	vsel vm1, $0x1, v8;
	v21 =	vsel vm2, $0x1, v8;
	v56 =	vsel vm14, $0x1, v8  }
0x6b: {  	v11 =	vadd.s32 v19, v11;
	v12 =	vadd.s32 v20, v12;
	v9 =	vadd.s32 v21, v9  }
0x6c: {  	v10 =	vadd.s32 v56, v10;
	vm15 =	vlt.s32 v11, $0x80;
	vm4 =	vlt.s32 v12, $0x80  }
0x6d: {  	vm5 =	vlt.s32 v9, $0x80;
	vm6 =	vlt.s32 v10, $0x80;
	v17 =	vnsel vm15, $0x7F61B1E6, v17  }
0x6e: {  	v18 =	vnsel vm4, $0x7F61B1E6, v18;
	v16 =	vnsel vm6, $0x7F61B1E6, v55;
	v14 =	vnsel vm5, $0x7F61B1E6, v14  }
0x6f: {  	v57 =	vmin.f32 v17, v18;
	v58 =	vmin.f32 v16, v14  }
0x70: {  	v19 =	vmin.f32 v57, v58  }
0x71: {  	v20 =	vperm.xlane v19, v0;
	_ =	sdelay $0x1  }
0x72: {  	v19 =	vmin.f32 v19, v20  }
0x73: {  	v20 =	vperm.xlane v19, v1;
	_ =	sdelay $0x1  }
0x74: {  	v19 =	vmin.f32 v19, v20  }
0x75: {  	v20 =	vperm.xlane v19, v3;
	_ =	sdelay $0x1  }
0x76: {  	v19 =	vmin.f32 v19, v20  }
0x77: {  	v20 =	vperm.xlane v19, v4;
	_ =	sdelay $0x1  }
0x78: {  	v19 =	vmin.f32 v19, v20  }
0x79: {  	vm7 =	veq.f32 v14, v19  }
0x7a: {  	vm1 =	veq.f32 v16, v19;
	v14 =	vnsel vm7, $0x100000, v5  }
0x7b: {  	vm8 =	veq.f32 v18, v19;
	v14 =	vsel vm1, v6, v14  }
0x7c: {  	vm9 =	veq.f32 v17, v19;
	v14 =	vsel vm8, v7, v14  }
0x7d: {  	v14 =	vsel vm9, v2, v14  }
0x7e: {  	v59 =	vperm.xlane v14, v0;
	_ =	sdelay $0x1  }
0x7f: {  	vm10 =	vlt.s32 v14, v59  }
0x80: {  	v14 =	vsel vm10, v14, v59  }
0x81: {  	v16 =	vperm.xlane v14, v1;
	_ =	sdelay $0x1  }
0x82: {  	vm0 =	vlt.s32 v14, v16  }
0x83: {  	v14 =	vsel vm0, v14, v16  }
0x84: {  	v16 =	vperm.xlane v14, v3;
	_ =	sdelay $0x1  }
0x85: {  	vm0 =	vlt.s32 v14, v16  }
0x86: {  	v14 =	vsel vm0, v14, v16  }
0x87: {  	v16 =	vperm.xlane v14, v4;
	_ =	sdelay $0x1  }
0x88: {  	v60 =	vmov s13;
	s30 =	sshll.u32 s12, $0x4;
	s12 =	sadd.s32 $0x1, s12;
	vm0 =	vlt.s32 v14, v16  }
0x89: {  	v61 =	vmov s14;
	vm11 =	veq.s32 v60, v2;
	p0 =	sne.s32 s12, $0x20;
	v14 =	vsel vm0, v14, v16  }
.Ltmp2:
0x8a: {  	vm12 =	veq.s32 v61, v2;
	v13 =	vsel vm11, v15, v13;
	vm13 =	veq.s32 v14, v2;
	(pc) =	sbr.rel @p0 .LBB2_4-.Ltmp2, $4  }
0x8b: {  	s31 =	sand.u32 $0x180, s30;
	vm14 =	veq.s32 v14, v7;
	vm3 =	veq.s32 v14, v5;
	vm15 =	veq.s32 v14, v6  }
0x8c: {  	s13 =	sand.u32 $0x70, s30;
	s14 =	sadd.s32 s31, s11;
	v13 =	vsel vm12, v14, v13;
	v15 =	vsel vm13, $0x1, v8;
	v62 =	vsel vm14, $0x1, v8  }
0x8d: {  	s13 =	sadd.s32 s13, s14;
	v63 =	vsel vm3, $0x1, v8;
	v11 =	vadd.s32 v15, v11;
	v15 =	vsel vm15, $0x1, v8  }
0x8e: {  	[tilespmem:s13+$0x0] =	vst v13;
	v12 =	vadd.s32 v62, v12;
	v9 =	vadd.s32 v63, v9;
	v10 =	vadd.s32 v15, v10  }
0x8f: {  	s10 =	sadd.s32 $0x1, s10  }
0x90: {  	p0 =	sne.s32 s10, $0x10  }
.Ltmp3:
0x91: {  	_ = 	snop;
	(pc) =	sbr.rel @p0 .LBB2_3-.Ltmp3, $1  }
0x92: {  	_ =	sdelay $0x3  }
0x93: {  	s8 =	sadd.s32 $0x1, s8  }
0x94: {  	p0 =	sne.s32 s8, s5  }
.Ltmp4:
0x95: {  	_ = 	snop;
	(pc) =	sbr.rel @p0 .LBB2_2-.Ltmp4, $4  }
0x96: {  	[hbm4b:s3+s4] =	stream.linear.scatter [tilespmem:s7], [sflag:$0x1], $0x2000, $0x38;
	[tilespmem:$0xA000] =	vst v63  }
0x97: {  	_ =	swait.ge [sflag:s6], $0x2000  }
0x98: {  	[sflag:s6] =	ssyncset.done $0x0  }
0x99: {  	[sflag:s6] =	ssyncadd.s32 $0xFFFFE000  }
.LBB2_9:
0x9a: {  	_ =	sfence.sel $0x180000  }
0x9b: {  	[bflag:$0x0] =	sbarrier.arrive $0xFFFF  }
0x9c: {  	p0 =	sne.s32 s1, $0x0;
	_ =	strace $0x90000047  }
0x9d: {  	s0 =	sadd.s32 @!p0 $0x100000, s0;
	[bflag:$0x2] =	sbarrier.arrive $0xFFFF  }
0x9e: {  	[sflag:s0] =	ssyncadd.tile.s32 @!p0 $0x1;
	_ =	shalt  }
.Lfunc_end2:
_tile_overlayer_lowered:
.L_overlay_start_2:
0x9f: {  	(tag) =	ssettag $0x2  }
0xa0: {  	s0 =	rddreg [dreg:$0x0];
	s2 =	stileid.u32  }
0xa1: {  	s1 =	rddreg [dreg:$0x1];
	p0 =	sne.s32 s2, $0x0  }
0xa2: {  	s3 =	rddreg [dreg:$0x2];
	[bflag:$0x3] =	sbarrier.arrive $0xFFFF;
	s2 =	simm.s32 @!p0 $0x1C01  }
0xa3: {  	[timem:s3], [sflag:s2] =	dma.local @!p0 [hbm:s0], s1  }
0xa4: {  	s0 =	simm.s32 @!p0 $0x1  }
0xa5: {  	_ =	swait.ge @!p0 [sflag:s0], s1  }
0xa6: {  	s1 =	ssub.s32 @!p0 $0x0, s1;
	[sflag:s0] =	ssyncset.done @!p0 $0x0  }
0xa7: {  	[sflag:s0] =	ssyncadd.s32 @!p0 s1  }
0xa8: {  	[bflag:$0x3] =	sbarrier.arrive $0xFFFF  }
0xa9: {  	_ =	shalt  }

// kernel: kernel.14.cloned.1.call-start
scs
__scs_entry_jumppad:
0x0: {  	(pc) =	sbr.rel $0x88, $3  }
0x1: {  	(tag) =	ssettag $0x0;
	lr =	simm.s32 $0x1  }
0x2: {  	[smem:$0x3FA0] =	sst lr;
	_ =	strace $0xD0000000  }
0x3: {  	_ = 	snop  }
0x4: {  	_ = 	snop  }
0x5: {  	_ = 	snop  }
0x6: {  	_ = 	snop  }
0x7: {  	_ = 	snop  }
__scs_overlays_trampoline_lowered:
0x8: {  	[smem:$0x3FAF] =	sst s0  }
0x9: {  	[smem:$0x3FB0] =	sst s1  }
0xa: {  	[smem:$0x3FB1] =	sst s2  }
0xb: {  	[smem:$0x3FB2] =	sst s3  }
0xc: {  	[smem:$0x3FB3] =	sst s4  }
0xd: {  	[smem:$0x3FB4] =	sst s5  }
0xe: {  	[smem:$0x3FB5] =	sst s6  }
0xf: {  	[smem:$0x3FB6] =	sst s7  }
0x10: {  	[smem:$0x3FB7] =	sst s8  }
0x11: {  	[smem:$0x3FB8] =	sst s9;
	s0 =	simm.s32 @!p0 $0x0  }
0x12: {  	s1 =	sld [smem:$0x3F9E];
	s0 =	simm.s32 @p0 $0x1  }
0x13: {  	[smem:$0x3FB9] =	sst s0;
	s0 =	simm.s32 @!p1 $0x0  }
0x14: {  	s2 =	sld [smem:$0x3F9D];
	s0 =	simm.s32 @p1 $0x1  }
0x15: {  	[smem:$0x3FBA] =	sst s0;
	s0 =	simm.s32 @!p2 $0x0  }
0x16: {  	s3 =	sld [smem:$0x3FDB];
	s0 =	simm.s32 @p2 $0x1  }
0x17: {  	s4 =	simm.s32 $0x1BF5;
	[smem:$0x3FBC] =	sst s0  }
0x18: {  	s0 =	sld [smem:$0x3F9F];
	_ =	swait.ge [sflag:s4], $0x0  }
0x19: {  	s7 =	sld [smem:$0x3FA0]  }
0x1a: {  	s8 =	sadd.s32 $0xFFFFE003, lr  }
0x1b: {  	s9 =	sadd.s32 $0xFFFFFEF7, lr;
	s5 =	simm.s32 $0xFFFFFFFF;
	p2 =	slt.u32 s8, $0xFFFFF086  }
0x1c: {  	p1 =	slt.u32 s9, $0xF7A;
	s5 =	simm.s32 @!p2 $0x0  }
0x1d: {  	s5 =	simm.s32 @p1 $0x1;
	p0 =	seq.s32 s7, s2  }
0x1e: {  	s7 =	smul.u32 @!p0 $0xF7A, s2;
	p2 =	seq.s32 @!p0 s5, $0x0  }
0x1f: {  	s9 =	smul.u32 $0xF7A, s1;
	s8 =	simm.s32 @!p0 $0x1BF5;
	p2 =	por !p2, p0  }
0x20: {  	[sflag:s8] =	ssyncset.s32 @!p0 $0xFFFFF086;
	s6 =	sadd.s32 @!p0 s3, s7;
	s7 =	simm.s32 @!p0 $0x108  }
0x21: {  	s3 =	sadd.s32 s3, s9;
	s6 =	sadd.s32 @!p0 $0x88, s6;
	s7 =	simm.s32 @p2 $0x1082  }
0x22: {  	[simem:s7], [sflag:s8] =	dma.local @!p0 [hbm:s6], $0xF7A  }
0x23: {  	s9 =	sor.u32 $0xD0000000, s2;
	s6 =	simm.s32 $0x108;
	_ =	swait.ge @!p0 [sflag:s8], $0x0  }
0x24: {  	s3 =	sadd.s32 $0x88, s3;
	s6 =	simm.s32 @!p1 $0x1082;
	[sflag:s4] =	ssyncset.s32 $0xFFFFF086  }
0x25: {  	[simem:s6], [sflag:s4] =	dma.local [hbm:s3], $0xF7A  }
0x26: {  	[smem:$0x3FA0] =	sst s1;
	(tag) =	ssettag s2;
	_ =	strace s9  }
0x27: {  	s1 =	sld [smem:$0x3FB0]  }
0x28: {  	s2 =	sld [smem:$0x3FB1]  }
0x29: {  	s4 =	sld [smem:$0x3FB3]  }
0x2a: {  	p0 =	seq.s32 s5, $0x0;
	s5 =	sld [smem:$0x3FB4]  }
0x2b: {  	s6 =	sld [smem:$0x3FB5]  }
0x2c: {  	s7 =	sld [smem:$0x3FB6]  }
0x2d: {  	s3 =	simm.s32 $0x108;
	s8 =	sld [smem:$0x3FB7]  }
0x2e: {  	s3 =	simm.s32 @!p0 $0x1082;
	s9 =	sld [smem:$0x3FB8]  }
0x2f: {  	lr =	sadd.s32 s0, s3;
	s0 =	sld [smem:$0x3FAF]  }
0x30: {  	s3 =	sld [smem:$0x3FB2]  }
0x31: {  	[smem:$0x3FBB] =	sst s10  }
0x32: {  	s10 =	sld [smem:$0x3FB9];
	_ =	sdelay $0x3  }
0x33: {  	p0 =	seq.s32 s10, $0x1;
	s10 =	sld [smem:$0x3FBB];
	_ =	sdelay $0x3  }
0x34: {  	[smem:$0x3FBB] =	sst s10  }
0x35: {  	s10 =	sld [smem:$0x3FBA];
	_ =	sdelay $0x3  }
0x36: {  	p1 =	seq.s32 s10, $0x1;
	s10 =	sld [smem:$0x3FBB];
	_ =	sdelay $0x3  }
0x37: {  	[smem:$0x3FBB] =	sst s10  }
0x38: {  	s10 =	sld [smem:$0x3FBC]  }
0x39: {  	_ = 	snop;
	(pc) =	sbr.ind lr, $3  }
0x3a: {  	_ = 	snop  }
0x3b: {  	_ = 	snop  }
0x3c: {  	p2 =	seq.s32 s10, $0x1;
	s10 =	sld [smem:$0x3FBB]  }
0x3d: {  	_ =	shalt  }
0x3e: {  	_ =	shalt  }
0x3f: {  	_ =	shalt  }
0x40: {  	_ =	shalt  }
0x41: {  	_ =	shalt  }
0x42: {  	_ =	shalt  }
0x43: {  	_ =	shalt  }
0x44: {  	_ =	shalt  }
0x45: {  	_ =	shalt  }
0x46: {  	_ =	shalt  }
0x47: {  	_ =	shalt  }
0x48: {  	_ =	shalt  }
0x49: {  	_ =	shalt  }
0x4a: {  	_ =	shalt  }
0x4b: {  	_ =	shalt  }
0x4c: {  	_ =	shalt  }
0x4d: {  	_ =	shalt  }
0x4e: {  	_ =	shalt  }
0x4f: {  	_ =	shalt  }
0x50: {  	_ =	shalt  }
0x51: {  	_ =	shalt  }
0x52: {  	_ =	shalt  }
0x53: {  	_ =	shalt  }
0x54: {  	_ =	shalt  }
0x55: {  	_ =	shalt  }
0x56: {  	_ =	shalt  }
0x57: {  	_ =	shalt  }
0x58: {  	_ =	shalt  }
0x59: {  	_ =	shalt  }
0x5a: {  	_ =	shalt  }
0x5b: {  	_ =	shalt  }
0x5c: {  	_ =	shalt  }
0x5d: {  	_ =	shalt  }
0x5e: {  	_ =	shalt  }
0x5f: {  	_ =	shalt  }
0x60: {  	_ =	shalt  }
0x61: {  	_ =	shalt  }
0x62: {  	_ =	shalt  }
0x63: {  	_ =	shalt  }
0x64: {  	_ =	shalt  }
0x65: {  	_ =	shalt  }
0x66: {  	_ =	shalt  }
0x67: {  	_ =	shalt  }
0x68: {  	_ =	shalt  }
0x69: {  	_ =	shalt  }
0x6a: {  	_ =	shalt  }
0x6b: {  	_ =	shalt  }
0x6c: {  	_ =	shalt  }
0x6d: {  	_ =	shalt  }
0x6e: {  	_ =	shalt  }
0x6f: {  	_ =	shalt  }
0x70: {  	_ =	shalt  }
0x71: {  	_ =	shalt  }
0x72: {  	_ =	shalt  }
0x73: {  	_ =	shalt  }
0x74: {  	_ =	shalt  }
0x75: {  	_ =	shalt  }
0x76: {  	_ =	shalt  }
0x77: {  	_ =	shalt  }
0x78: {  	_ =	shalt  }
0x79: {  	_ =	shalt  }
0x7a: {  	_ =	shalt  }
0x7b: {  	_ =	shalt  }
0x7c: {  	_ =	shalt  }
0x7d: {  	_ =	shalt  }
0x7e: {  	_ =	shalt  }
0x7f: {  	_ =	shalt  }
0x80: {  	_ =	shalt  }
0x81: {  	_ =	shalt  }
0x82: {  	_ =	shalt  }
0x83: {  	_ =	shalt  }
0x84: {  	_ =	shalt  }
0x85: {  	_ =	shalt  }
0x86: {  	_ =	shalt  }
0x87: {  	_ =	shalt  }
.Lfunc_end0:
.L_simem_size_0:
called_computation.1_lowered:
.L_overlay_start_0:
0x88: {  	s2 =	sld [smem:$0x3FD9]  }
0x89: {  	s3 =	sld [smem:$0x3FFE];
	_ =	sdelay $0x1  }
0x8a: {  	s1 =	srdreg.scid  }
0x8b: {  	s0 =	sand.u32 $0x1, s1  }
0x8c: {  	s14 =	sshll.u32 s0, $0xA;
	s2 =	sadd.s32 s3, s2  }
0x8d: {  	s2 =	sadd.s32 s2, s14  }
0x8e: {  	[smem:$0x3FC7] =	sst s2  }
0x8f: {  	_ = 	snop  }
0x90: {  	s2 =	sld [smem:$0x3FD0];
	_ =	sdelay $0x2  }
0x91: {  	s15 =	simm.s32 $0xA;
	s4 =	simm.s32 $0x10  }
0x92: {  	[smem:s4], [sflag:s15] =	dma.local [hbm:s2], $0x1  }
0x93: {  	_ =	swait.eq [sflag:s15], $0x1  }
0x94: {  	[sflag:s15] =	ssyncset.done $0x0  }
0x95: {  	[sflag:s15] =	ssyncadd.s32 $0xFFFFFFFF  }
0x96: {  	s16 =	sld [smem:$0x11];
	(tm) =	ssettm $0x1  }
0x97: {  	s17 =	sld [smem:$0x3FFB];
	_ =	sdelay $0x3  }
0x98: {  	_ =	strace s17  }
0x99: {  	s3 =	sld [smem:$0x3FFC];
	_ =	sdelay $0x3  }
0x9a: {  	_ =	strace s3  }
0x9b: {  	s3 =	sld [smem:$0x3FFD];
	_ =	sdelay $0x3  }
0x9c: {  	_ =	strace s3  }
0x9d: {  	_ =	strace $0x8FFFFFFF  }
0x9e: {  	s18 =	sld [smem:$0x3FDB];
	_ =	sdelay $0x1  }
0x9f: {  	s19 =	simm.s32 $_scs_section_size  }
0xa0: {  	s5 =	simm.s32 $_size__tile_overlayer_lowered;
	s6 =	simm.s32 $_tile_overlayer_lowered  }
0xa1: {  	s22 =	simm.s32 $0x1BFF;
	s21 =	sshll.u32 s6, $0x1;
	s3 =	sadd.s32 s19, s18  }
0xa2: {  	s7 =	simm.s32 $0x0;
	s20 =	sshll.u32 s5, $0x1;
	s5 =	sadd.s32 s21, s3  }
0xa3: {  	[timem:s7], [sflag:s22] =	dma.local [hbm:s5], s20  }
0xa4: {  	_ =	swait.ge [sflag:s22], s20  }
0xa5: {  	s4 =	ssub.s32 $0x0, s20;
	[sflag:s22] =	ssyncset.done $0x0  }
0xa6: {  	[sflag:s22] =	ssyncadd.s32 s4;
	_ =	sdelay $0x1  }
0xa7: {  	s23 =	simm.s32 $0x1B8B  }
0xa8: {  	_ =	swait.ge [sflag:s23], $0x1  }
0xa9: {  	[sflag:s23] =	ssyncset.done $0x0  }
0xaa: {  	s25 =	simm.s32 $0x1B8E;
	s24 =	sld [smem:$0x3FFE];
	[sflag:s23] =	ssyncadd.s32 $0xFFFFFFFF  }
0xab: {  	s26 =	simm.s32 $execute0_lowered;
	[smem:$0x3FD2] =	sst s25  }
0xac: {  	s5 =	sshll.u32 s26, $0x1;
	_ =	strace $0x80000049;
	[dreg:$0x1] =	wrdreg $0xFFFFFFFF  }
0xad: {  	s28 =	simm.s32 $_size_execute0_lowered;
	s3 =	sadd.s32 s3, s5;
	[dreg:$0x0] =	wrdreg $0x0  }
0xae: {  	s5 =	sshll.u32 s28, $0x1;
	[dreg:$0x2] =	wrdreg s3  }
0xaf: {  	[dreg:$0x3] =	wrdreg s5  }
0xb0: {  	[dreg:$0x4] =	wrdreg $0xC0  }
0xb1: {  	_ =	task [dreg:s7], $0x5FFFF  }
0xb2: {  	[dreg:$0x1] =	wrdreg $0xFFFFFFFF  }
0xb3: {  	[dreg:$0x0] =	wrdreg $0x60  }
0xb4: {  	[dreg:$0x2] =	wrdreg s24  }
0xb5: {  	[dreg:$0x3] =	wrdreg s16  }
0xb6: {  	[dreg:$0x4] =	wrdreg $0x9  }
0xb7: {  	_ =	task.clear_ibuf [dreg:s7], $0x5FFFF;
	_ =	strace $0x90000049  }
0xb8: {  	s29 =	simm.s32 $0x9;
	_ =	strace $0x8000004B  }
0xb9: {  	_ =	swait.ge [sflag:s29], $0x1  }
0xba: {  	[sflag:s29] =	ssyncadd.s32 $0xFFFFFFFF  }
0xbb: {  	_ =	strace $0x9000004B  }
0xbc: {  	_ =	sfence  }
0xbd: {  	s30 =	sld [smem:$0x0];
	_ =	sdelay $0x2  }
0xbe: {  	s31 =	sshll.u32 s1, $0xD;
	s1 =	sshrl.u32 s1, $0x2  }
0xbf: {  	s3 =	sand.u32 $0x4000, s31;
	s1 =	sadd.s32 s1, s30  }
0xc0: {  	s0 =	sor.u32 s3, s0;
	s1 =	sshll.u32 s1, $0x11  }
0xc1: {  	s0 =	sor.u32 s1, s0  }
0xc2: {  	s0 =	sadd.s32 $0x8F2B, s0  }
0xc3: {  	[sflag:s0] =	ssyncadd.remote.s32 $0x1  }
0xc4: {  	_ =	sfence.sel $0xFFFF  }
0xc5: {  	[dreg:$0x0] =	wrdreg $0xFFFFFFFF;
	(pc) =	sbr.abs _section_cstart, $3  }
0xc6: {  	[dreg:$0x1] =	wrdreg $0xFFFFFFFF  }
0xc7: {  	_ =	task.clear_ibuf [dreg:s7], $0x2FFFF;
	_ =	strace $0x9FFFFFFF  }
0xc8: {  	(tm) =	ssettm $0x7FFFFFFF  }
0xc9: {  	_ =	shalt  }
tec
execute0_lowered:
.L_overlay_start_1:
0x0: {  	(tag) =	ssettag $0x1  }
0x1: {  	s0 =	srdreg.scid  }
0x2: {  	s1 =	stileid.u32;
	s5 =	sand.u32 $0x1, s0  }
0x3: {  	s6 =	sor.u32 s1, s5  }
0x4: {  	p0 =	sne.s32 s6, $0x0  }
.Ltmp0:
0x5: {  	_ = 	snop;
	(pc) =	sbr.rel @p0 .LBB2_9-.Ltmp0, $4  }
0x6: {  	s2 =	rddreg [dreg:$0x0]  }
0x7: {  	s3 =	rddreg [dreg:$0x1];
	s4 =	simm.s32 $0x0  }
0x8: {  	[smem:$0x7FF] =	sst s4  }
0x9: {  	s0 =	rddreg [dreg:$0x2];
	_ =	strace $0x8000004A  }
0xa: {  	v0 =	vimm.s32 $0xFEDCBA98;
	v1 =	vimm.s32 $0x76543210  }
0xb: {  	v2 =	vimm.s32 $0xBA98FEDC;
	v3 =	vimm.s32 $0x32107654;
	v4 =	vimm.s32 $0xDCFE98BA  }
0xc: {  	v5 =	vimm.s32 $0x54761032;
	v6 =	vimm.s32 $0xEFCDAB89;
	v7 =	vimm.s32 $0x67452301  }
0xd: {  	v0 =	vunpack.c.l.s4.s8 v0;
	v1 =	vunpack.c.l.s4.s8 v1;
	v2 =	vunpack.c.l.s4.s8 v2  }
0xe: {  	v3 =	vunpack.c.l.s4.s8 v3;
	v4 =	vunpack.c.l.s4.s8 v4;
	v5 =	vunpack.c.l.s4.s8 v5  }
0xf: {  	v6 =	vunpack.c.l.s4.s8 v6;
	v7 =	vunpack.c.l.s4.s8 v7;
	v0 =	vunpack.c.0.s8.s32 v0  }
0x10: {  	v2 =	vunpack.c.0.s8.s32 v2;
	v3 =	vunpack.c.0.s8.s32 v3;
	v4 =	vunpack.c.0.s8.s32 v4  }
0x11: {  	v5 =	vunpack.c.0.s8.s32 v5;
	v6 =	vunpack.c.0.s8.s32 v6;
	v7 =	vunpack.c.0.s8.s32 v7  }
0x12: {  	v1 =	vunpack.c.0.s8.s32 v1;
	v2 =	vcombine.low v3, v2  }
0x13: {  	v0 =	vand.u32 $0xF, v0;
	v3 =	vcombine.low v5, v4;
	v4 =	vcombine.low v7, v6  }
0x14: {  	s5 =	ssub.s32 $0x2, s5;
	v8 =	vimm.s32 $0x0;
	v0 =	vcombine.low v0, v1;
	v1 =	vand.u32 $0xF, v2  }
0x15: {  	s7 =	simm.s32 $0x8000;
	s8 =	simm.s32 $0x0;
	s6 =	sshrl.u32 s5, $0x1;
	v2 =	vlaneseq.u32;
	v3 =	vand.u32 $0xF, v3;
	v4 =	vand.u32 $0xF, v4  }
0x16: {  	s9 =	simm.s32 $0x0;
	s5 =	ssub.s32 s5, s6;
	s6 =	simm.s32 $0x1;
	v5 =	vor.u32 $0x30, v2;
	v6 =	vor.u32 $0x20, v2;
	v7 =	vor.u32 $0x10, v2  }
.LBB2_2:
0x17: {  	v9 =	vimm.s32 $0x0  }
0x18: {  	v10 =	vimm.s32 $0x0;
	v12 =	vimm.s32 $0x0;
	v11 =	vimm.s32 $0x0;
	s10 =	simm.s32 $0x0  }
.LBB2_3:
0x19: {  	s11 =	sshll.u32 s10, $0xC  }
0x1a: {  	s11 =	sadd.s32 s2, s11  }
0x1b: {  	[tilespmem:s9], [sflag:$0x1] =	stream.linear.gather [hbm4b:s11+s9], $0x8000, $0x38;
	[tilespmem:$0xA000] =	vst v63  }
0x1c: {  	s31 =	sshll.u32 s10, $0x9;
	_ =	swait.ge [sflag:s6], $0x8000  }
0x1d: {  	s11 =	sand.u32 $0x3FFFFE00, s31;
	[sflag:s6] =	ssyncset.done $0x0  }
0x1e: {  	s12 =	simm.s32 $0x0;
	s11 =	sadd.s32 $0x8000, s11;
	[sflag:s6] =	ssyncadd.s32 $0xFFFF8000  }
.LBB2_4:
0x1f: {  	s14 =	sshll.u32 s12, $0xA;
	s13 =	simm.s32 $0x0  }
0x20: {  	s15 =	sand.u32 $0x3FFFFC00, s14;
	s30 =	sand.u32 $0x380, s13  }
0x21: {  	s16 =	sand.u32 $0x40, s13;
	s14 =	sadd.s32 s30, s15  }
0x22: {  	s14 =	sadd.s32 s16, s14  }
0x23: {  	v13 =	vld [tilespmem:s14+$0x30]  }
0x24: {  	v14 =	vld [tilespmem:s14+$0x0]  }
0x25: {  	v15 =	vld [tilespmem:s14+$0x20]  }
0x26: {  	v16 =	vld [tilespmem:s14+$0x10];
	_ =	sdelay $0x2  }
0x27: {  	vm0 =	vlt.s32 v11, $0x80;
	vm1 =	vlt.s32 v12, $0x80  }
0x28: {  	vm2 =	vlt.s32 v9, $0x80;
	vm11 =	vlt.s32 v10, $0x80;
	v14 =	vnsel vm0, $0x7F61B1E6, v14  }
0x29: {  	v16 =	vnsel vm1, $0x7F61B1E6, v16;
	v15 =	vnsel vm11, $0x7F61B1E6, v15;
	v13 =	vnsel vm2, $0x7F61B1E6, v13  }
0x2a: {  	v17 =	vmin.f32 v14, v16;
	v18 =	vmin.f32 v15, v13  }
0x2b: {  	v17 =	vmin.f32 v17, v18  }
0x2c: {  	v18 =	vperm.xlane v17, v0;
	_ =	sdelay $0x1  }
0x2d: {  	v17 =	vmin.f32 v17, v18  }
0x2e: {  	v18 =	vperm.xlane v17, v1;
	_ =	sdelay $0x1  }
0x2f: {  	v17 =	vmin.f32 v17, v18  }
0x30: {  	v18 =	vperm.xlane v17, v3;
	_ =	sdelay $0x1  }
0x31: {  	v17 =	vmin.f32 v17, v18  }
0x32: {  	v18 =	vperm.xlane v17, v4;
	_ =	sdelay $0x1  }
0x33: {  	v17 =	vmin.f32 v17, v18  }
0x34: {  	s16 =	simm.s32 $0x40;
	vm12 =	veq.f32 v13, v17  }
0x35: {  	s31 =	sand.u32 $0x380, s16;
	vm13 =	veq.f32 v15, v17;
	v13 =	vnsel vm12, $0x100000, v5  }
0x36: {  	s17 =	sand.u32 $0x40, s16;
	s14 =	sadd.s32 s31, s15;
	vm14 =	veq.f32 v16, v17;
	v13 =	vsel vm13, v6, v13  }
0x37: {  	s18 =	sadd.s32 s17, s14;
	vm15 =	veq.f32 v14, v17;
	v15 =	vsel vm14, v7, v13  }
0x38: {  	s14 =	simm.s32 $0x1;
	s17 =	simm.s32 $0x2;
	v14 =	vld [tilespmem:s18+$0x30];
	v13 =	vimm.s32 $0x0;
	v15 =	vsel vm15, v2, v15  }
.LBB2_5:
0x39: {  	p0 =	sne.s32 s17, $0xF;
	v16 =	vld [tilespmem:s18+$0x0];
	v17 =	vperm.xlane v15, v0;
	s19 =	smov.u32 s17;
	s17 =	sadd.s32 $0x1, s17  }
0x3a: {  	v19 =	vmov s13;
	s13 =	smov.u32 s14;
	v18 =	vld [tilespmem:s18+$0x20];
	s14 =	smov.u32 s19  }
0x3b: {  	v20 =	vld [tilespmem:s18+$0x10];
	vm0 =	vlt.s32 v15, v17  }
0x3c: {  	v15 =	vsel vm0, v15, v17;
	vm0 =	veq.s32 v19, v2  }
0x3d: {  	v17 =	vperm.xlane v15, v1;
	_ =	sdelay $0x1  }
0x3e: {  	vm1 =	vlt.s32 v15, v17  }
0x3f: {  	v15 =	vsel vm1, v15, v17  }
0x40: {  	v17 =	vperm.xlane v15, v3;
	_ =	sdelay $0x1  }
0x41: {  	vm1 =	vlt.s32 v15, v17  }
0x42: {  	v15 =	vsel vm1, v15, v17  }
0x43: {  	v17 =	vperm.xlane v15, v4;
	_ =	sdelay $0x1  }
0x44: {  	vm1 =	vlt.s32 v15, v17  }
0x45: {  	v15 =	vsel vm1, v15, v17  }
0x46: {  	vm1 =	veq.s32 v15, v2;
	vm2 =	veq.s32 v15, v7;
	vm3 =	veq.s32 v15, v5  }
0x47: {  	v17 =	vsel vm1, $0x1, v8;
	v19 =	vsel vm2, $0x1, v8;
	v21 =	vsel vm3, $0x1, v8  }
0x48: {  	vm1 =	veq.s32 v15, v6;
	v11 =	vadd.s32 v17, v11;
	v12 =	vadd.s32 v19, v12  }
0x49: {  	v17 =	vsel vm1, $0x1, v8;
	v9 =	vadd.s32 v21, v9;
	vm2 =	vlt.s32 v11, $0x80  }
0x4a: {  	vm1 =	vlt.s32 v12, $0x80;
	vm3 =	vlt.s32 v9, $0x80;
	v10 =	vadd.s32 v17, v10  }
0x4b: {  	v13 =	vsel vm0, v15, v13;
	v16 =	vnsel vm2, $0x7F61B1E6, v16;
	vm2 =	vlt.s32 v10, $0x80  }
0x4c: {  	v15 =	vnsel vm1, $0x7F61B1E6, v20;
	v14 =	vnsel vm3, $0x7F61B1E6, v14;
	v17 =	vnsel vm2, $0x7F61B1E6, v18  }
0x4d: {  	v18 =	vmin.f32 v16, v15;
	v19 =	vmin.f32 v17, v14  }
0x4e: {  	v18 =	vmin.f32 v18, v19  }
0x4f: {  	v19 =	vperm.xlane v18, v0;
	_ =	sdelay $0x1  }
0x50: {  	v18 =	vmin.f32 v18, v19  }
0x51: {  	v19 =	vperm.xlane v18, v1;
	_ =	sdelay $0x1  }
0x52: {  	v18 =	vmin.f32 v18, v19  }
0x53: {  	v19 =	vperm.xlane v18, v3;
	_ =	sdelay $0x1  }
0x54: {  	v18 =	vmin.f32 v18, v19  }
0x55: {  	v19 =	vperm.xlane v18, v4;
	_ =	sdelay $0x1  }
0x56: {  	v18 =	vmin.f32 v18, v19  }
.Ltmp1:
0x57: {  	s16 =	sadd.s32 $0x40, s16;
	vm0 =	veq.f32 v15, v18;
	vm1 =	veq.f32 v17, v18;
	vm2 =	veq.f32 v14, v18;
	(pc) =	sbr.rel @p0 .LBB2_5-.Ltmp1, $4  }
0x58: {  	s18 =	sand.u32 $0x380, s16;
	vm3 =	veq.f32 v16, v18;
	v14 =	vnsel vm2, $0x100000, v5  }
0x59: {  	s19 =	sand.u32 $0x40, s16;
	s18 =	sadd.s32 s18, s15;
	v14 =	vsel vm1, v6, v14  }
0x5a: {  	s18 =	sadd.s32 s19, s18;
	v15 =	vsel vm0, v7, v14  }
0x5b: {  	v15 =	vsel vm3, v2, v15;
	v14 =	vld [tilespmem:s18+$0x30]  }
0x5c: {  	v16 =	vperm.xlane v15, v0;
	_ =	sdelay $0x1  }
0x5d: {  	vm0 =	vlt.s32 v15, v16  }
0x5e: {  	v15 =	vsel vm0, v15, v16  }
0x5f: {  	v16 =	vperm.xlane v15, v1;
	_ =	sdelay $0x1  }
0x60: {  	vm0 =	vlt.s32 v15, v16  }
0x61: {  	v15 =	vsel vm0, v15, v16  }
0x62: {  	v16 =	vperm.xlane v15, v3;
	_ =	sdelay $0x1  }
0x63: {  	vm0 =	vlt.s32 v15, v16  }
0x64: {  	v15 =	vsel vm0, v15, v16  }
0x65: {  	v16 =	vperm.xlane v15, v4;
	_ =	sdelay $0x1  }
0x66: {  	vm0 =	vlt.s32 v15, v16  }
0x67: {  	v17 =	vld [tilespmem:s18+$0x0];
	v15 =	vsel vm0, v15, v16  }
0x68: {  	v55 =	vld [tilespmem:s18+$0x20];
	vm0 =	veq.s32 v15, v2;
	vm1 =	veq.s32 v15, v7  }
0x69: {  	v18 =	vld [tilespmem:s18+$0x10];
	vm2 =	veq.s32 v15, v5;
	vm14 =	veq.s32 v15, v6;
	v19 =	vsel vm0, $0x1, v8  }
0x6a: {  	v20 =	vsel vm1, $0x1, v8;
	v21 =	vsel vm2, $0x1, v8;
	v56 =	vsel vm14, $0x1, v8  }
0x6b: {  	v11 =	vadd.s32 v19, v11;
	v12 =	vadd.s32 v20, v12;
	v9 =	vadd.s32 v21, v9  }
0x6c: {  	v10 =	vadd.s32 v56, v10;
	vm15 =	vlt.s32 v11, $0x80;
	vm4 =	vlt.s32 v12, $0x80  }
0x6d: {  	vm5 =	vlt.s32 v9, $0x80;
	vm6 =	vlt.s32 v10, $0x80;
	v17 =	vnsel vm15, $0x7F61B1E6, v17  }
0x6e: {  	v18 =	vnsel vm4, $0x7F61B1E6, v18;
	v16 =	vnsel vm6, $0x7F61B1E6, v55;
	v14 =	vnsel vm5, $0x7F61B1E6, v14  }
0x6f: {  	v57 =	vmin.f32 v17, v18;
	v58 =	vmin.f32 v16, v14  }
0x70: {  	v19 =	vmin.f32 v57, v58  }
0x71: {  	v20 =	vperm.xlane v19, v0;
	_ =	sdelay $0x1  }
0x72: {  	v19 =	vmin.f32 v19, v20  }
0x73: {  	v20 =	vperm.xlane v19, v1;
	_ =	sdelay $0x1  }
0x74: {  	v19 =	vmin.f32 v19, v20  }
0x75: {  	v20 =	vperm.xlane v19, v3;
	_ =	sdelay $0x1  }
0x76: {  	v19 =	vmin.f32 v19, v20  }
0x77: {  	v20 =	vperm.xlane v19, v4;
	_ =	sdelay $0x1  }
0x78: {  	v19 =	vmin.f32 v19, v20  }
0x79: {  	vm7 =	veq.f32 v14, v19  }
0x7a: {  	vm1 =	veq.f32 v16, v19;
	v14 =	vnsel vm7, $0x100000, v5  }
0x7b: {  	vm8 =	veq.f32 v18, v19;
	v14 =	vsel vm1, v6, v14  }
0x7c: {  	vm9 =	veq.f32 v17, v19;
	v14 =	vsel vm8, v7, v14  }
0x7d: {  	v14 =	vsel vm9, v2, v14  }
0x7e: {  	v59 =	vperm.xlane v14, v0;
	_ =	sdelay $0x1  }
0x7f: {  	vm10 =	vlt.s32 v14, v59  }
0x80: {  	v14 =	vsel vm10, v14, v59  }
0x81: {  	v16 =	vperm.xlane v14, v1;
	_ =	sdelay $0x1  }
0x82: {  	vm0 =	vlt.s32 v14, v16  }
0x83: {  	v14 =	vsel vm0, v14, v16  }
0x84: {  	v16 =	vperm.xlane v14, v3;
	_ =	sdelay $0x1  }
0x85: {  	vm0 =	vlt.s32 v14, v16  }
0x86: {  	v14 =	vsel vm0, v14, v16  }
0x87: {  	v16 =	vperm.xlane v14, v4;
	_ =	sdelay $0x1  }
0x88: {  	v60 =	vmov s13;
	s30 =	sshll.u32 s12, $0x4;
	s12 =	sadd.s32 $0x1, s12;
	vm0 =	vlt.s32 v14, v16  }
0x89: {  	v61 =	vmov s14;
	vm11 =	veq.s32 v60, v2;
	p0 =	sne.s32 s12, $0x20;
	v14 =	vsel vm0, v14, v16  }
.Ltmp2:
0x8a: {  	vm12 =	veq.s32 v61, v2;
	v13 =	vsel vm11, v15, v13;
	vm13 =	veq.s32 v14, v2;
	(pc) =	sbr.rel @p0 .LBB2_4-.Ltmp2, $4  }
0x8b: {  	s31 =	sand.u32 $0x180, s30;
	vm14 =	veq.s32 v14, v7;
	vm3 =	veq.s32 v14, v5;
	vm15 =	veq.s32 v14, v6  }
0x8c: {  	s13 =	sand.u32 $0x70, s30;
	s14 =	sadd.s32 s31, s11;
	v13 =	vsel vm12, v14, v13;
	v15 =	vsel vm13, $0x1, v8;
	v62 =	vsel vm14, $0x1, v8  }
0x8d: {  	s13 =	sadd.s32 s13, s14;
	v63 =	vsel vm3, $0x1, v8;
	v11 =	vadd.s32 v15, v11;
	v15 =	vsel vm15, $0x1, v8  }
0x8e: {  	[tilespmem:s13+$0x0] =	vst v13;
	v12 =	vadd.s32 v62, v12;
	v9 =	vadd.s32 v63, v9;
	v10 =	vadd.s32 v15, v10  }
0x8f: {  	s10 =	sadd.s32 $0x1, s10  }
0x90: {  	p0 =	sne.s32 s10, $0x10  }
.Ltmp3:
0x91: {  	_ = 	snop;
	(pc) =	sbr.rel @p0 .LBB2_3-.Ltmp3, $1  }
0x92: {  	_ =	sdelay $0x3  }
0x93: {  	s8 =	sadd.s32 $0x1, s8  }
0x94: {  	p0 =	sne.s32 s8, s5  }
.Ltmp4:
0x95: {  	_ = 	snop;
	(pc) =	sbr.rel @p0 .LBB2_2-.Ltmp4, $4  }
0x96: {  	[hbm4b:s3+s4] =	stream.linear.scatter [tilespmem:s7], [sflag:$0x1], $0x2000, $0x38;
	[tilespmem:$0xA000] =	vst v63  }
0x97: {  	_ =	swait.ge [sflag:s6], $0x2000  }
0x98: {  	[sflag:s6] =	ssyncset.done $0x0  }
0x99: {  	[sflag:s6] =	ssyncadd.s32 $0xFFFFE000  }
.LBB2_9:
0x9a: {  	_ =	sfence.sel $0x180000  }
0x9b: {  	[bflag:$0x0] =	sbarrier.arrive $0xFFFF  }
0x9c: {  	p0 =	sne.s32 s1, $0x0;
	_ =	strace $0x9000004A  }
0x9d: {  	s0 =	sadd.s32 @!p0 $0x100000, s0;
	[bflag:$0x2] =	sbarrier.arrive $0xFFFF  }
0x9e: {  	[sflag:s0] =	ssyncadd.tile.s32 @!p0 $0x1;
	_ =	shalt  }
.Lfunc_end2:
_tile_overlayer_lowered:
.L_overlay_start_2:
0x9f: {  	(tag) =	ssettag $0x2  }
0xa0: {  	s0 =	rddreg [dreg:$0x0];
	s2 =	stileid.u32  }
0xa1: {  	s1 =	rddreg [dreg:$0x1];
	p0 =	sne.s32 s2, $0x0  }
0xa2: {  	s3 =	rddreg [dreg:$0x2];
	[bflag:$0x3] =	sbarrier.arrive $0xFFFF;
	s2 =	simm.s32 @!p0 $0x1C01  }
0xa3: {  	[timem:s3], [sflag:s2] =	dma.local @!p0 [hbm:s0], s1  }
0xa4: {  	s0 =	simm.s32 @!p0 $0x1  }
0xa5: {  	_ =	swait.ge @!p0 [sflag:s0], s1  }
0xa6: {  	s1 =	ssub.s32 @!p0 $0x0, s1;
	[sflag:s0] =	ssyncset.done @!p0 $0x0  }
0xa7: {  	[sflag:s0] =	ssyncadd.s32 @!p0 s1  }
0xa8: {  	[bflag:$0x3] =	sbarrier.arrive $0xFFFF  }
0xa9: {  	_ =	shalt  }

// kernel: kernel.17.cloned.1.call-start
scs
__scs_entry_jumppad:
0x0: {  	(pc) =	sbr.rel $0x88, $3  }
0x1: {  	(tag) =	ssettag $0x0;
	lr =	simm.s32 $0x1  }
0x2: {  	[smem:$0x3FA0] =	sst lr;
	_ =	strace $0xD0000000  }
0x3: {  	_ = 	snop  }
0x4: {  	_ = 	snop  }
0x5: {  	_ = 	snop  }
0x6: {  	_ = 	snop  }
0x7: {  	_ = 	snop  }
__scs_overlays_trampoline_lowered:
0x8: {  	[smem:$0x3FAF] =	sst s0  }
0x9: {  	[smem:$0x3FB0] =	sst s1  }
0xa: {  	[smem:$0x3FB1] =	sst s2  }
0xb: {  	[smem:$0x3FB2] =	sst s3  }
0xc: {  	[smem:$0x3FB3] =	sst s4  }
0xd: {  	[smem:$0x3FB4] =	sst s5  }
0xe: {  	[smem:$0x3FB5] =	sst s6  }
0xf: {  	[smem:$0x3FB6] =	sst s7  }
0x10: {  	[smem:$0x3FB7] =	sst s8  }
0x11: {  	[smem:$0x3FB8] =	sst s9;
	s0 =	simm.s32 @!p0 $0x0  }
0x12: {  	s1 =	sld [smem:$0x3F9E];
	s0 =	simm.s32 @p0 $0x1  }
0x13: {  	[smem:$0x3FB9] =	sst s0;
	s0 =	simm.s32 @!p1 $0x0  }
0x14: {  	s2 =	sld [smem:$0x3F9D];
	s0 =	simm.s32 @p1 $0x1  }
0x15: {  	[smem:$0x3FBA] =	sst s0;
	s0 =	simm.s32 @!p2 $0x0  }
0x16: {  	s3 =	sld [smem:$0x3FDB];
	s0 =	simm.s32 @p2 $0x1  }
0x17: {  	s4 =	simm.s32 $0x1BF5;
	[smem:$0x3FBC] =	sst s0  }
0x18: {  	s0 =	sld [smem:$0x3F9F];
	_ =	swait.ge [sflag:s4], $0x0  }
0x19: {  	s7 =	sld [smem:$0x3FA0]  }
0x1a: {  	s8 =	sadd.s32 $0xFFFFE003, lr  }
0x1b: {  	s9 =	sadd.s32 $0xFFFFFEF7, lr;
	s5 =	simm.s32 $0xFFFFFFFF;
	p2 =	slt.u32 s8, $0xFFFFF086  }
0x1c: {  	p1 =	slt.u32 s9, $0xF7A;
	s5 =	simm.s32 @!p2 $0x0  }
0x1d: {  	s5 =	simm.s32 @p1 $0x1;
	p0 =	seq.s32 s7, s2  }
0x1e: {  	s7 =	smul.u32 @!p0 $0xF7A, s2;
	p2 =	seq.s32 @!p0 s5, $0x0  }
0x1f: {  	s9 =	smul.u32 $0xF7A, s1;
	s8 =	simm.s32 @!p0 $0x1BF5;
	p2 =	por !p2, p0  }
0x20: {  	[sflag:s8] =	ssyncset.s32 @!p0 $0xFFFFF086;
	s6 =	sadd.s32 @!p0 s3, s7;
	s7 =	simm.s32 @!p0 $0x108  }
0x21: {  	s3 =	sadd.s32 s3, s9;
	s6 =	sadd.s32 @!p0 $0x88, s6;
	s7 =	simm.s32 @p2 $0x1082  }
0x22: {  	[simem:s7], [sflag:s8] =	dma.local @!p0 [hbm:s6], $0xF7A  }
0x23: {  	s9 =	sor.u32 $0xD0000000, s2;
	s6 =	simm.s32 $0x108;
	_ =	swait.ge @!p0 [sflag:s8], $0x0  }
0x24: {  	s3 =	sadd.s32 $0x88, s3;
	s6 =	simm.s32 @!p1 $0x1082;
	[sflag:s4] =	ssyncset.s32 $0xFFFFF086  }
0x25: {  	[simem:s6], [sflag:s4] =	dma.local [hbm:s3], $0xF7A  }
0x26: {  	[smem:$0x3FA0] =	sst s1;
	(tag) =	ssettag s2;
	_ =	strace s9  }
0x27: {  	s1 =	sld [smem:$0x3FB0]  }
0x28: {  	s2 =	sld [smem:$0x3FB1]  }
0x29: {  	s4 =	sld [smem:$0x3FB3]  }
0x2a: {  	p0 =	seq.s32 s5, $0x0;
	s5 =	sld [smem:$0x3FB4]  }
0x2b: {  	s6 =	sld [smem:$0x3FB5]  }
0x2c: {  	s7 =	sld [smem:$0x3FB6]  }
0x2d: {  	s3 =	simm.s32 $0x108;
	s8 =	sld [smem:$0x3FB7]  }
0x2e: {  	s3 =	simm.s32 @!p0 $0x1082;
	s9 =	sld [smem:$0x3FB8]  }
0x2f: {  	lr =	sadd.s32 s0, s3;
	s0 =	sld [smem:$0x3FAF]  }
0x30: {  	s3 =	sld [smem:$0x3FB2]  }
0x31: {  	[smem:$0x3FBB] =	sst s10  }
0x32: {  	s10 =	sld [smem:$0x3FB9];
	_ =	sdelay $0x3  }
0x33: {  	p0 =	seq.s32 s10, $0x1;
	s10 =	sld [smem:$0x3FBB];
	_ =	sdelay $0x3  }
0x34: {  	[smem:$0x3FBB] =	sst s10  }
0x35: {  	s10 =	sld [smem:$0x3FBA];
	_ =	sdelay $0x3  }
0x36: {  	p1 =	seq.s32 s10, $0x1;
	s10 =	sld [smem:$0x3FBB];
	_ =	sdelay $0x3  }
0x37: {  	[smem:$0x3FBB] =	sst s10  }
0x38: {  	s10 =	sld [smem:$0x3FBC]  }
0x39: {  	_ = 	snop;
	(pc) =	sbr.ind lr, $3  }
0x3a: {  	_ = 	snop  }
0x3b: {  	_ = 	snop  }
0x3c: {  	p2 =	seq.s32 s10, $0x1;
	s10 =	sld [smem:$0x3FBB]  }
0x3d: {  	_ =	shalt  }
0x3e: {  	_ =	shalt  }
0x3f: {  	_ =	shalt  }
0x40: {  	_ =	shalt  }
0x41: {  	_ =	shalt  }
0x42: {  	_ =	shalt  }
0x43: {  	_ =	shalt  }
0x44: {  	_ =	shalt  }
0x45: {  	_ =	shalt  }
0x46: {  	_ =	shalt  }
0x47: {  	_ =	shalt  }
0x48: {  	_ =	shalt  }
0x49: {  	_ =	shalt  }
0x4a: {  	_ =	shalt  }
0x4b: {  	_ =	shalt  }
0x4c: {  	_ =	shalt  }
0x4d: {  	_ =	shalt  }
0x4e: {  	_ =	shalt  }
0x4f: {  	_ =	shalt  }
0x50: {  	_ =	shalt  }
0x51: {  	_ =	shalt  }
0x52: {  	_ =	shalt  }
0x53: {  	_ =	shalt  }
0x54: {  	_ =	shalt  }
0x55: {  	_ =	shalt  }
0x56: {  	_ =	shalt  }
0x57: {  	_ =	shalt  }
0x58: {  	_ =	shalt  }
0x59: {  	_ =	shalt  }
0x5a: {  	_ =	shalt  }
0x5b: {  	_ =	shalt  }
0x5c: {  	_ =	shalt  }
0x5d: {  	_ =	shalt  }
0x5e: {  	_ =	shalt  }
0x5f: {  	_ =	shalt  }
0x60: {  	_ =	shalt  }
0x61: {  	_ =	shalt  }
0x62: {  	_ =	shalt  }
0x63: {  	_ =	shalt  }
0x64: {  	_ =	shalt  }
0x65: {  	_ =	shalt  }
0x66: {  	_ =	shalt  }
0x67: {  	_ =	shalt  }
0x68: {  	_ =	shalt  }
0x69: {  	_ =	shalt  }
0x6a: {  	_ =	shalt  }
0x6b: {  	_ =	shalt  }
0x6c: {  	_ =	shalt  }
0x6d: {  	_ =	shalt  }
0x6e: {  	_ =	shalt  }
0x6f: {  	_ =	shalt  }
0x70: {  	_ =	shalt  }
0x71: {  	_ =	shalt  }
0x72: {  	_ =	shalt  }
0x73: {  	_ =	shalt  }
0x74: {  	_ =	shalt  }
0x75: {  	_ =	shalt  }
0x76: {  	_ =	shalt  }
0x77: {  	_ =	shalt  }
0x78: {  	_ =	shalt  }
0x79: {  	_ =	shalt  }
0x7a: {  	_ =	shalt  }
0x7b: {  	_ =	shalt  }
0x7c: {  	_ =	shalt  }
0x7d: {  	_ =	shalt  }
0x7e: {  	_ =	shalt  }
0x7f: {  	_ =	shalt  }
0x80: {  	_ =	shalt  }
0x81: {  	_ =	shalt  }
0x82: {  	_ =	shalt  }
0x83: {  	_ =	shalt  }
0x84: {  	_ =	shalt  }
0x85: {  	_ =	shalt  }
0x86: {  	_ =	shalt  }
0x87: {  	_ =	shalt  }
.Lfunc_end0:
.L_simem_size_0:
called_computation.2_lowered:
.L_overlay_start_0:
0x88: {  	s2 =	sld [smem:$0x3FD9]  }
0x89: {  	s3 =	sld [smem:$0x3FFE];
	_ =	sdelay $0x1  }
0x8a: {  	s1 =	srdreg.scid  }
0x8b: {  	s0 =	sand.u32 $0x1, s1  }
0x8c: {  	s14 =	sshll.u32 s0, $0xA;
	s2 =	sadd.s32 s3, s2  }
0x8d: {  	s2 =	sadd.s32 s2, s14  }
0x8e: {  	[smem:$0x3FC7] =	sst s2  }
0x8f: {  	_ = 	snop  }
0x90: {  	s2 =	sld [smem:$0x3FD0];
	_ =	sdelay $0x2  }
0x91: {  	s15 =	simm.s32 $0xA;
	s4 =	simm.s32 $0x10  }
0x92: {  	[smem:s4], [sflag:s15] =	dma.local [hbm:s2], $0x1  }
0x93: {  	_ =	swait.eq [sflag:s15], $0x1  }
0x94: {  	[sflag:s15] =	ssyncset.done $0x0  }
0x95: {  	[sflag:s15] =	ssyncadd.s32 $0xFFFFFFFF  }
0x96: {  	s16 =	sld [smem:$0x11];
	(tm) =	ssettm $0x1  }
0x97: {  	s17 =	sld [smem:$0x3FFB];
	_ =	sdelay $0x3  }
0x98: {  	_ =	strace s17  }
0x99: {  	s3 =	sld [smem:$0x3FFC];
	_ =	sdelay $0x3  }
0x9a: {  	_ =	strace s3  }
0x9b: {  	s3 =	sld [smem:$0x3FFD];
	_ =	sdelay $0x3  }
0x9c: {  	_ =	strace s3  }
0x9d: {  	_ =	strace $0x8FFFFFFF  }
0x9e: {  	s18 =	sld [smem:$0x3FDB];
	_ =	sdelay $0x1  }
0x9f: {  	s19 =	simm.s32 $_scs_section_size  }
0xa0: {  	s5 =	simm.s32 $_size__tile_overlayer_lowered;
	s6 =	simm.s32 $_tile_overlayer_lowered  }
0xa1: {  	s22 =	simm.s32 $0x1BFF;
	s21 =	sshll.u32 s6, $0x1;
	s3 =	sadd.s32 s19, s18  }
0xa2: {  	s7 =	simm.s32 $0x0;
	s20 =	sshll.u32 s5, $0x1;
	s5 =	sadd.s32 s21, s3  }
0xa3: {  	[timem:s7], [sflag:s22] =	dma.local [hbm:s5], s20  }
0xa4: {  	_ =	swait.ge [sflag:s22], s20  }
0xa5: {  	s4 =	ssub.s32 $0x0, s20;
	[sflag:s22] =	ssyncset.done $0x0  }
0xa6: {  	[sflag:s22] =	ssyncadd.s32 s4;
	_ =	sdelay $0x1  }
0xa7: {  	s23 =	simm.s32 $0x1B8B  }
0xa8: {  	_ =	swait.ge [sflag:s23], $0x1  }
0xa9: {  	[sflag:s23] =	ssyncset.done $0x0  }
0xaa: {  	s25 =	simm.s32 $0x1B8E;
	s24 =	sld [smem:$0x3FFE];
	[sflag:s23] =	ssyncadd.s32 $0xFFFFFFFF  }
0xab: {  	s26 =	simm.s32 $execute0_lowered;
	[smem:$0x3FD2] =	sst s25  }
0xac: {  	s5 =	sshll.u32 s26, $0x1;
	_ =	strace $0x8000004C;
	[dreg:$0x1] =	wrdreg $0xFFFFFFFF  }
0xad: {  	s28 =	simm.s32 $_size_execute0_lowered;
	s3 =	sadd.s32 s3, s5;
	[dreg:$0x0] =	wrdreg $0x0  }
0xae: {  	s5 =	sshll.u32 s28, $0x1;
	[dreg:$0x2] =	wrdreg s3  }
0xaf: {  	[dreg:$0x3] =	wrdreg s5  }
0xb0: {  	[dreg:$0x4] =	wrdreg $0xC0  }
0xb1: {  	_ =	task [dreg:s7], $0x5FFFF  }
0xb2: {  	[dreg:$0x1] =	wrdreg $0xFFFFFFFF  }
0xb3: {  	[dreg:$0x0] =	wrdreg $0x60  }
0xb4: {  	[dreg:$0x2] =	wrdreg s24  }
0xb5: {  	[dreg:$0x3] =	wrdreg s16  }
0xb6: {  	[dreg:$0x4] =	wrdreg $0x9  }
0xb7: {  	_ =	task.clear_ibuf [dreg:s7], $0x5FFFF;
	_ =	strace $0x9000004C  }
0xb8: {  	s29 =	simm.s32 $0x9;
	_ =	strace $0x8000004E  }
0xb9: {  	_ =	swait.ge [sflag:s29], $0x1  }
0xba: {  	[sflag:s29] =	ssyncadd.s32 $0xFFFFFFFF  }
0xbb: {  	_ =	strace $0x9000004E  }
0xbc: {  	_ =	sfence  }
0xbd: {  	s30 =	sld [smem:$0x0];
	_ =	sdelay $0x2  }
0xbe: {  	s31 =	sshll.u32 s1, $0xD;
	s1 =	sshrl.u32 s1, $0x2  }
0xbf: {  	s3 =	sand.u32 $0x4000, s31;
	s1 =	sadd.s32 s1, s30  }
0xc0: {  	s0 =	sor.u32 s3, s0;
	s1 =	sshll.u32 s1, $0x11  }
0xc1: {  	s0 =	sor.u32 s1, s0  }
0xc2: {  	s0 =	sadd.s32 $0x8F2B, s0  }
0xc3: {  	[sflag:s0] =	ssyncadd.remote.s32 $0x1  }
0xc4: {  	_ =	sfence.sel $0xFFFF  }
0xc5: {  	[dreg:$0x0] =	wrdreg $0xFFFFFFFF;
	(pc) =	sbr.abs _section_cstart, $3  }
0xc6: {  	[dreg:$0x1] =	wrdreg $0xFFFFFFFF  }
0xc7: {  	_ =	task.clear_ibuf [dreg:s7], $0x2FFFF;
	_ =	strace $0x9FFFFFFF  }
0xc8: {  	(tm) =	ssettm $0x7FFFFFFF  }
0xc9: {  	_ =	shalt  }
tec
execute0_lowered:
.L_overlay_start_1:
0x0: {  	(tag) =	ssettag $0x1  }
0x1: {  	s0 =	srdreg.scid  }
0x2: {  	s1 =	stileid.u32;
	s5 =	sand.u32 $0x1, s0  }
0x3: {  	s6 =	sor.u32 s1, s5  }
0x4: {  	p0 =	sne.s32 s6, $0x0  }
.Ltmp0:
0x5: {  	_ = 	snop;
	(pc) =	sbr.rel @p0 .LBB2_9-.Ltmp0, $4  }
0x6: {  	s2 =	rddreg [dreg:$0x0]  }
0x7: {  	s3 =	rddreg [dreg:$0x1];
	s4 =	simm.s32 $0x0  }
0x8: {  	[smem:$0x7FF] =	sst s4  }
0x9: {  	s0 =	rddreg [dreg:$0x2];
	_ =	strace $0x8000004D  }
0xa: {  	v0 =	vimm.s32 $0xFEDCBA98;
	v1 =	vimm.s32 $0x76543210  }
0xb: {  	v2 =	vimm.s32 $0xBA98FEDC;
	v3 =	vimm.s32 $0x32107654;
	v4 =	vimm.s32 $0xDCFE98BA  }
0xc: {  	v5 =	vimm.s32 $0x54761032;
	v6 =	vimm.s32 $0xEFCDAB89;
	v7 =	vimm.s32 $0x67452301  }
0xd: {  	v0 =	vunpack.c.l.s4.s8 v0;
	v1 =	vunpack.c.l.s4.s8 v1;
	v2 =	vunpack.c.l.s4.s8 v2  }
0xe: {  	v3 =	vunpack.c.l.s4.s8 v3;
	v4 =	vunpack.c.l.s4.s8 v4;
	v5 =	vunpack.c.l.s4.s8 v5  }
0xf: {  	v6 =	vunpack.c.l.s4.s8 v6;
	v7 =	vunpack.c.l.s4.s8 v7;
	v0 =	vunpack.c.0.s8.s32 v0  }
0x10: {  	v2 =	vunpack.c.0.s8.s32 v2;
	v3 =	vunpack.c.0.s8.s32 v3;
	v4 =	vunpack.c.0.s8.s32 v4  }
0x11: {  	v5 =	vunpack.c.0.s8.s32 v5;
	v6 =	vunpack.c.0.s8.s32 v6;
	v7 =	vunpack.c.0.s8.s32 v7  }
0x12: {  	v1 =	vunpack.c.0.s8.s32 v1;
	v2 =	vcombine.low v3, v2  }
0x13: {  	v0 =	vand.u32 $0xF, v0;
	v3 =	vcombine.low v5, v4;
	v4 =	vcombine.low v7, v6  }
0x14: {  	s5 =	ssub.s32 $0x2, s5;
	v8 =	vimm.s32 $0x0;
	v0 =	vcombine.low v0, v1;
	v1 =	vand.u32 $0xF, v2  }
0x15: {  	s7 =	simm.s32 $0x8000;
	s8 =	simm.s32 $0x0;
	s6 =	sshrl.u32 s5, $0x1;
	v2 =	vlaneseq.u32;
	v3 =	vand.u32 $0xF, v3;
	v4 =	vand.u32 $0xF, v4  }
0x16: {  	s9 =	simm.s32 $0x0;
	s5 =	ssub.s32 s5, s6;
	s6 =	simm.s32 $0x1;
	v5 =	vor.u32 $0x30, v2;
	v6 =	vor.u32 $0x20, v2;
	v7 =	vor.u32 $0x10, v2  }
.LBB2_2:
0x17: {  	v9 =	vimm.s32 $0x0  }
0x18: {  	v10 =	vimm.s32 $0x0;
	v12 =	vimm.s32 $0x0;
	v11 =	vimm.s32 $0x0;
	s10 =	simm.s32 $0x0  }
.LBB2_3:
0x19: {  	s11 =	sshll.u32 s10, $0xC  }
0x1a: {  	s11 =	sadd.s32 s2, s11  }
0x1b: {  	[tilespmem:s9], [sflag:$0x1] =	stream.linear.gather [hbm4b:s11+s9], $0x8000, $0x38;
	[tilespmem:$0xA000] =	vst v63  }
0x1c: {  	s31 =	sshll.u32 s10, $0x9;
	_ =	swait.ge [sflag:s6], $0x8000  }
0x1d: {  	s11 =	sand.u32 $0x3FFFFE00, s31;
	[sflag:s6] =	ssyncset.done $0x0  }
0x1e: {  	s12 =	simm.s32 $0x0;
	s11 =	sadd.s32 $0x8000, s11;
	[sflag:s6] =	ssyncadd.s32 $0xFFFF8000  }
.LBB2_4:
0x1f: {  	s14 =	sshll.u32 s12, $0xA;
	s13 =	simm.s32 $0x0  }
0x20: {  	s15 =	sand.u32 $0x3FFFFC00, s14;
	s30 =	sand.u32 $0x380, s13  }
0x21: {  	s16 =	sand.u32 $0x40, s13;
	s14 =	sadd.s32 s30, s15  }
0x22: {  	s14 =	sadd.s32 s16, s14  }
0x23: {  	v13 =	vld [tilespmem:s14+$0x30]  }
0x24: {  	v14 =	vld [tilespmem:s14+$0x0]  }
0x25: {  	v15 =	vld [tilespmem:s14+$0x20]  }
0x26: {  	v16 =	vld [tilespmem:s14+$0x10];
	_ =	sdelay $0x2  }
0x27: {  	vm0 =	vlt.s32 v11, $0x80;
	vm1 =	vlt.s32 v12, $0x80  }
0x28: {  	vm2 =	vlt.s32 v9, $0x80;
	vm11 =	vlt.s32 v10, $0x80;
	v14 =	vnsel vm0, $0x7F61B1E6, v14  }
0x29: {  	v16 =	vnsel vm1, $0x7F61B1E6, v16;
	v15 =	vnsel vm11, $0x7F61B1E6, v15;
	v13 =	vnsel vm2, $0x7F61B1E6, v13  }
0x2a: {  	v17 =	vmin.f32 v14, v16;
	v18 =	vmin.f32 v15, v13  }
0x2b: {  	v17 =	vmin.f32 v17, v18  }
0x2c: {  	v18 =	vperm.xlane v17, v0;
	_ =	sdelay $0x1  }
0x2d: {  	v17 =	vmin.f32 v17, v18  }
0x2e: {  	v18 =	vperm.xlane v17, v1;
	_ =	sdelay $0x1  }
0x2f: {  	v17 =	vmin.f32 v17, v18  }
0x30: {  	v18 =	vperm.xlane v17, v3;
	_ =	sdelay $0x1  }
0x31: {  	v17 =	vmin.f32 v17, v18  }
0x32: {  	v18 =	vperm.xlane v17, v4;
	_ =	sdelay $0x1  }
0x33: {  	v17 =	vmin.f32 v17, v18  }
0x34: {  	s16 =	simm.s32 $0x40;
	vm12 =	veq.f32 v13, v17  }
0x35: {  	s31 =	sand.u32 $0x380, s16;
	vm13 =	veq.f32 v15, v17;
	v13 =	vnsel vm12, $0x100000, v5  }
0x36: {  	s17 =	sand.u32 $0x40, s16;
	s14 =	sadd.s32 s31, s15;
	vm14 =	veq.f32 v16, v17;
	v13 =	vsel vm13, v6, v13  }
0x37: {  	s18 =	sadd.s32 s17, s14;
	vm15 =	veq.f32 v14, v17;
	v15 =	vsel vm14, v7, v13  }
0x38: {  	s14 =	simm.s32 $0x1;
	s17 =	simm.s32 $0x2;
	v14 =	vld [tilespmem:s18+$0x30];
	v13 =	vimm.s32 $0x0;
	v15 =	vsel vm15, v2, v15  }
.LBB2_5:
0x39: {  	p0 =	sne.s32 s17, $0xF;
	v16 =	vld [tilespmem:s18+$0x0];
	v17 =	vperm.xlane v15, v0;
	s19 =	smov.u32 s17;
	s17 =	sadd.s32 $0x1, s17  }
0x3a: {  	v19 =	vmov s13;
	s13 =	smov.u32 s14;
	v18 =	vld [tilespmem:s18+$0x20];
	s14 =	smov.u32 s19  }
0x3b: {  	v20 =	vld [tilespmem:s18+$0x10];
	vm0 =	vlt.s32 v15, v17  }
0x3c: {  	v15 =	vsel vm0, v15, v17;
	vm0 =	veq.s32 v19, v2  }
0x3d: {  	v17 =	vperm.xlane v15, v1;
	_ =	sdelay $0x1  }
0x3e: {  	vm1 =	vlt.s32 v15, v17  }
0x3f: {  	v15 =	vsel vm1, v15, v17  }
0x40: {  	v17 =	vperm.xlane v15, v3;
	_ =	sdelay $0x1  }
0x41: {  	vm1 =	vlt.s32 v15, v17  }
0x42: {  	v15 =	vsel vm1, v15, v17  }
0x43: {  	v17 =	vperm.xlane v15, v4;
	_ =	sdelay $0x1  }
0x44: {  	vm1 =	vlt.s32 v15, v17  }
0x45: {  	v15 =	vsel vm1, v15, v17  }
0x46: {  	vm1 =	veq.s32 v15, v2;
	vm2 =	veq.s32 v15, v7;
	vm3 =	veq.s32 v15, v5  }
0x47: {  	v17 =	vsel vm1, $0x1, v8;
	v19 =	vsel vm2, $0x1, v8;
	v21 =	vsel vm3, $0x1, v8  }
0x48: {  	vm1 =	veq.s32 v15, v6;
	v11 =	vadd.s32 v17, v11;
	v12 =	vadd.s32 v19, v12  }
0x49: {  	v17 =	vsel vm1, $0x1, v8;
	v9 =	vadd.s32 v21, v9;
	vm2 =	vlt.s32 v11, $0x80  }
0x4a: {  	vm1 =	vlt.s32 v12, $0x80;
	vm3 =	vlt.s32 v9, $0x80;
	v10 =	vadd.s32 v17, v10  }
0x4b: {  	v13 =	vsel vm0, v15, v13;
	v16 =	vnsel vm2, $0x7F61B1E6, v16;
	vm2 =	vlt.s32 v10, $0x80  }
0x4c: {  	v15 =	vnsel vm1, $0x7F61B1E6, v20;
	v14 =	vnsel vm3, $0x7F61B1E6, v14;
	v17 =	vnsel vm2, $0x7F61B1E6, v18  }
0x4d: {  	v18 =	vmin.f32 v16, v15;
	v19 =	vmin.f32 v17, v14  }
0x4e: {  	v18 =	vmin.f32 v18, v19  }
0x4f: {  	v19 =	vperm.xlane v18, v0;
	_ =	sdelay $0x1  }
0x50: {  	v18 =	vmin.f32 v18, v19  }
0x51: {  	v19 =	vperm.xlane v18, v1;
	_ =	sdelay $0x1  }
0x52: {  	v18 =	vmin.f32 v18, v19  }
0x53: {  	v19 =	vperm.xlane v18, v3;
	_ =	sdelay $0x1  }
0x54: {  	v18 =	vmin.f32 v18, v19  }
0x55: {  	v19 =	vperm.xlane v18, v4;
	_ =	sdelay $0x1  }
0x56: {  	v18 =	vmin.f32 v18, v19  }
.Ltmp1:
0x57: {  	s16 =	sadd.s32 $0x40, s16;
	vm0 =	veq.f32 v15, v18;
	vm1 =	veq.f32 v17, v18;
	vm2 =	veq.f32 v14, v18;
	(pc) =	sbr.rel @p0 .LBB2_5-.Ltmp1, $4  }
0x58: {  	s18 =	sand.u32 $0x380, s16;
	vm3 =	veq.f32 v16, v18;
	v14 =	vnsel vm2, $0x100000, v5  }
0x59: {  	s19 =	sand.u32 $0x40, s16;
	s18 =	sadd.s32 s18, s15;
	v14 =	vsel vm1, v6, v14  }
0x5a: {  	s18 =	sadd.s32 s19, s18;
	v15 =	vsel vm0, v7, v14  }
0x5b: {  	v15 =	vsel vm3, v2, v15;
	v14 =	vld [tilespmem:s18+$0x30]  }
0x5c: {  	v16 =	vperm.xlane v15, v0;
	_ =	sdelay $0x1  }
0x5d: {  	vm0 =	vlt.s32 v15, v16  }
0x5e: {  	v15 =	vsel vm0, v15, v16  }
0x5f: {  	v16 =	vperm.xlane v15, v1;
	_ =	sdelay $0x1  }
0x60: {  	vm0 =	vlt.s32 v15, v16  }
0x61: {  	v15 =	vsel vm0, v15, v16  }
0x62: {  	v16 =	vperm.xlane v15, v3;
	_ =	sdelay $0x1  }
0x63: {  	vm0 =	vlt.s32 v15, v16  }
0x64: {  	v15 =	vsel vm0, v15, v16  }
0x65: {  	v16 =	vperm.xlane v15, v4;
	_ =	sdelay $0x1  }
0x66: {  	vm0 =	vlt.s32 v15, v16  }
0x67: {  	v17 =	vld [tilespmem:s18+$0x0];
	v15 =	vsel vm0, v15, v16  }
0x68: {  	v55 =	vld [tilespmem:s18+$0x20];
	vm0 =	veq.s32 v15, v2;
	vm1 =	veq.s32 v15, v7  }
0x69: {  	v18 =	vld [tilespmem:s18+$0x10];
	vm2 =	veq.s32 v15, v5;
	vm14 =	veq.s32 v15, v6;
	v19 =	vsel vm0, $0x1, v8  }
0x6a: {  	v20 =	vsel vm1, $0x1, v8;
	v21 =	vsel vm2, $0x1, v8;
	v56 =	vsel vm14, $0x1, v8  }
0x6b: {  	v11 =	vadd.s32 v19, v11;
	v12 =	vadd.s32 v20, v12;
	v9 =	vadd.s32 v21, v9  }
0x6c: {  	v10 =	vadd.s32 v56, v10;
	vm15 =	vlt.s32 v11, $0x80;
	vm4 =	vlt.s32 v12, $0x80  }
0x6d: {  	vm5 =	vlt.s32 v9, $0x80;
	vm6 =	vlt.s32 v10, $0x80;
	v17 =	vnsel vm15, $0x7F61B1E6, v17  }
0x6e: {  	v18 =	vnsel vm4, $0x7F61B1E6, v18;
	v16 =	vnsel vm6, $0x7F61B1E6, v55;
	v14 =	vnsel vm5, $0x7F61B1E6, v14  }
0x6f: {  	v57 =	vmin.f32 v17, v18;
	v58 =	vmin.f32 v16, v14  }
0x70: {  	v19 =	vmin.f32 v57, v58  }
0x71: {  	v20 =	vperm.xlane v19, v0;
	_ =	sdelay $0x1  }
0x72: {  	v19 =	vmin.f32 v19, v20  }
0x73: {  	v20 =	vperm.xlane v19, v1;
	_ =	sdelay $0x1  }
0x74: {  	v19 =	vmin.f32 v19, v20  }
0x75: {  	v20 =	vperm.xlane v19, v3;
	_ =	sdelay $0x1  }
0x76: {  	v19 =	vmin.f32 v19, v20  }
0x77: {  	v20 =	vperm.xlane v19, v4;
	_ =	sdelay $0x1  }
0x78: {  	v19 =	vmin.f32 v19, v20  }
0x79: {  	vm7 =	veq.f32 v14, v19  }
0x7a: {  	vm1 =	veq.f32 v16, v19;
	v14 =	vnsel vm7, $0x100000, v5  }
0x7b: {  	vm8 =	veq.f32 v18, v19;
	v14 =	vsel vm1, v6, v14  }
0x7c: {  	vm9 =	veq.f32 v17, v19;
	v14 =	vsel vm8, v7, v14  }
0x7d: {  	v14 =	vsel vm9, v2, v14  }
0x7e: {  	v59 =	vperm.xlane v14, v0;
	_ =	sdelay $0x1  }
0x7f: {  	vm10 =	vlt.s32 v14, v59  }
0x80: {  	v14 =	vsel vm10, v14, v59  }
0x81: {  	v16 =	vperm.xlane v14, v1;
	_ =	sdelay $0x1  }
0x82: {  	vm0 =	vlt.s32 v14, v16  }
0x83: {  	v14 =	vsel vm0, v14, v16  }
0x84: {  	v16 =	vperm.xlane v14, v3;
	_ =	sdelay $0x1  }
0x85: {  	vm0 =	vlt.s32 v14, v16  }
0x86: {  	v14 =	vsel vm0, v14, v16  }
0x87: {  	v16 =	vperm.xlane v14, v4;
	_ =	sdelay $0x1  }
0x88: {  	v60 =	vmov s13;
	s30 =	sshll.u32 s12, $0x4;
	s12 =	sadd.s32 $0x1, s12;
	vm0 =	vlt.s32 v14, v16  }
0x89: {  	v61 =	vmov s14;
	vm11 =	veq.s32 v60, v2;
	p0 =	sne.s32 s12, $0x20;
	v14 =	vsel vm0, v14, v16  }
.Ltmp2:
0x8a: {  	vm12 =	veq.s32 v61, v2;
	v13 =	vsel vm11, v15, v13;
	vm13 =	veq.s32 v14, v2;
	(pc) =	sbr.rel @p0 .LBB2_4-.Ltmp2, $4  }
0x8b: {  	s31 =	sand.u32 $0x180, s30;
	vm14 =	veq.s32 v14, v7;
	vm3 =	veq.s32 v14, v5;
	vm15 =	veq.s32 v14, v6  }
0x8c: {  	s13 =	sand.u32 $0x70, s30;
	s14 =	sadd.s32 s31, s11;
	v13 =	vsel vm12, v14, v13;
	v15 =	vsel vm13, $0x1, v8;
	v62 =	vsel vm14, $0x1, v8  }
0x8d: {  	s13 =	sadd.s32 s13, s14;
	v63 =	vsel vm3, $0x1, v8;
	v11 =	vadd.s32 v15, v11;
	v15 =	vsel vm15, $0x1, v8  }
0x8e: {  	[tilespmem:s13+$0x0] =	vst v13;
	v12 =	vadd.s32 v62, v12;
	v9 =	vadd.s32 v63, v9;
	v10 =	vadd.s32 v15, v10  }
0x8f: {  	s10 =	sadd.s32 $0x1, s10  }
0x90: {  	p0 =	sne.s32 s10, $0x10  }
.Ltmp3:
0x91: {  	_ = 	snop;
	(pc) =	sbr.rel @p0 .LBB2_3-.Ltmp3, $1  }
0x92: {  	_ =	sdelay $0x3  }
0x93: {  	s8 =	sadd.s32 $0x1, s8  }
0x94: {  	p0 =	sne.s32 s8, s5  }
.Ltmp4:
0x95: {  	_ = 	snop;
	(pc) =	sbr.rel @p0 .LBB2_2-.Ltmp4, $4  }
0x96: {  	[hbm4b:s3+s4] =	stream.linear.scatter [tilespmem:s7], [sflag:$0x1], $0x2000, $0x38;
	[tilespmem:$0xA000] =	vst v63  }
0x97: {  	_ =	swait.ge [sflag:s6], $0x2000  }
0x98: {  	[sflag:s6] =	ssyncset.done $0x0  }
0x99: {  	[sflag:s6] =	ssyncadd.s32 $0xFFFFE000  }
.LBB2_9:
0x9a: {  	_ =	sfence.sel $0x180000  }
0x9b: {  	[bflag:$0x0] =	sbarrier.arrive $0xFFFF  }
0x9c: {  	p0 =	sne.s32 s1, $0x0;
	_ =	strace $0x9000004D  }
0x9d: {  	s0 =	sadd.s32 @!p0 $0x100000, s0;
	[bflag:$0x2] =	sbarrier.arrive $0xFFFF  }
0x9e: {  	[sflag:s0] =	ssyncadd.tile.s32 @!p0 $0x1;
	_ =	shalt  }
.Lfunc_end2:
_tile_overlayer_lowered:
.L_overlay_start_2:
0x9f: {  	(tag) =	ssettag $0x2  }
0xa0: {  	s0 =	rddreg [dreg:$0x0];
	s2 =	stileid.u32  }
0xa1: {  	s1 =	rddreg [dreg:$0x1];
	p0 =	sne.s32 s2, $0x0  }
0xa2: {  	s3 =	rddreg [dreg:$0x2];
	[bflag:$0x3] =	sbarrier.arrive $0xFFFF;
	s2 =	simm.s32 @!p0 $0x1C01  }
0xa3: {  	[timem:s3], [sflag:s2] =	dma.local @!p0 [hbm:s0], s1  }
0xa4: {  	s0 =	simm.s32 @!p0 $0x1  }
0xa5: {  	_ =	swait.ge @!p0 [sflag:s0], s1  }
0xa6: {  	s1 =	ssub.s32 @!p0 $0x0, s1;
	[sflag:s0] =	ssyncset.done @!p0 $0x0  }
0xa7: {  	[sflag:s0] =	ssyncadd.s32 @!p0 s1  }
0xa8: {  	[bflag:$0x3] =	sbarrier.arrive $0xFFFF  }
0xa9: {  	_ =	shalt  }

</sc_bundles>
